<compile_context>
chip_gen: v7x
topology: tpu7x:2x2x1
jax: 0.10.2.dev20260603
libtpu: 0.0.44.dev20260713+nightly
codegen_flags: <defaults>
</compile_context>

<pallas_src>
import functools

import jax
import jax.numpy as jnp
from jax import lax
from jax.experimental import pallas as pl
from jax.experimental.pallas import tpu as pltpu
from jax.experimental.pallas import tpu_sc as plsc

_D = 64
_NUM_CORES = 2
_NUM_SUBCORES = 16
_NUM_WORKERS = _NUM_CORES * _NUM_SUBCORES
_BBLK = 128
_NG = 6
_NT = 3


@functools.lru_cache(maxsize=None)
def _make_gather(batch, hist):
    b_per_w = batch // _NUM_WORKERS
    n_bblk = b_per_w // _BBLK
    n_units = hist * n_bblk
    mesh = plsc.VectorSubcoreMesh(core_axis_name="c", subcore_axis_name="s")

    def body(table_hbm, idxt_hbm, out_hbm, idx_v, g_v, t_v, gsem, osem):
        wid = lax.axis_index("s") * _NUM_CORES + lax.axis_index("c")
        b0 = wid * b_per_w
        pltpu.sync_copy(idxt_hbm.at[:, pl.ds(b0, b_per_w)], idx_v)

        iota = lax.iota(jnp.int32, 16)
        idx_dh = [(iota + k * 16) >> 3 for k in range(4)]
        idx_dl = [(iota + k * 16) & 7 for k in range(4)]

        def gather(u, slot):
            h = u // n_bblk
            bh = u % n_bblk
            return pltpu.make_async_copy(
                table_hbm.at[idx_v.at[h, pl.ds(bh * _BBLK, _BBLK)]],
                g_v.at[slot],
                gsem,
            )

        def out_copy(u, slot):
            h = u // n_bblk
            bhg = wid * n_bblk + u % n_bblk
            return pltpu.make_async_copy(
                t_v.at[slot, :, :, pl.ds(0, _BBLK)],
                out_hbm.at[h, :, bhg],
                osem,
            )

        def transpose(gslot, tslot):
            @plsc.parallel_loop(0, _BBLK, unroll=8)
            def bloop(b):
                idx_b = jnp.full((16,), b, jnp.int32)
                for k in range(4):
                    vec = g_v[gslot, b, pl.ds(k * 16, 16)]
                    plsc.store_scatter(
                        t_v.at[tslot], [idx_dh[k], idx_dl[k], idx_b], vec
                    )

        for s in range(_NG - 1):
            gather(s, s).start()

        def step(u, carry):
            gather(u, u % _NG).wait()

            @pl.when(u >= _NT)
            def _():
                out_copy(u - _NT, u % _NT).wait()

            transpose(u % _NG, u % _NT)
            out_copy(u, u % _NT).start()

            @pl.when(u + _NG - 1 < n_units)
            def _():
                gather(u + _NG - 1, (u + _NG - 1) % _NG).start()

            return carry

        lax.fori_loop(0, n_units, step, 0)
        for u in range(n_units - _NT, n_units):
            out_copy(u, u % _NT).wait()

    return pl.kernel(
        body,
        mesh=mesh,
        out_type=jax.ShapeDtypeStruct(
            (hist, 8, batch // 128, 8, 128), jnp.float32
        ),
        scratch_types=[
            pltpu.VMEM((hist, b_per_w), jnp.int32),
            pltpu.VMEM((_NG, _BBLK, _D), jnp.float32),
            pltpu.VMEM((_NT, 8, 8, _BBLK + 5), jnp.float32),
            pltpu.SemaphoreType.DMA,
            pltpu.SemaphoreType.DMA,
        ],
        compiler_params=pltpu.CompilerParams(
            use_tc_tiling_on_sc=False, needs_layout_passes=False
        ),
    )


def kernel(s0, ss, z, embedding):
    b, h = z.shape
    idxt = z.astype(jnp.int32).T
    out = _make_gather(b, h)(embedding, idxt)
    q = jnp.transpose(out, (0, 1, 3, 2, 4)).reshape(h, _D, b)
    return jnp.transpose(q, (2, 0, 1))

# --- scband reference (transcript-rebuilt; emitter-appended) ---
"""Pipeline reference for scband-pp-64896955842883 (READ-ONLY COPY).

The authoritative reference and input builder live on the scoring server;
editing this copy changes nothing except your own understanding.
"""

import jax, jax.numpy as jnp
import numpy as np

VOCAB = 1000000
EMBED_DIM = 64
BATCH = 16384
HIST = 50
HIDDEN = 128

def setup_inputs(seed: int = 0) -> dict:
    key = jax.random.key(seed)
    k1, k2, k3, k4 = jax.random.split(key, 4)
    embedding = jax.random.normal(k1, (VOCAB, EMBED_DIM), dtype=jnp.float32)
    s0 = jax.random.normal(k2, (BATCH, HIDDEN), dtype=jnp.float32)
    ss = jax.random.normal(k3, (BATCH, HIDDEN), dtype=jnp.float32)
    z = jax.random.randint(k4, (BATCH, HIST), 0, VOCAB, dtype=jnp.int64)
    return {"s0": s0, "ss": ss, "z": z, "embedding": embedding}

def reference(s0, ss, z, embedding):
    # Faithful translation of PP.forward: skill = self.embedding[z]
    skill = jnp.take(embedding, z, axis=0)
    return skill

if __name__ == "__main__":
    import jax
    _d = setup_inputs()
    print(jax.jit(kernel)(*tuple(_d.values())))

</pallas_src>

<mosaic_0001>
#map = affine_map<(d0, d1) -> (0, 0)>
#map1 = affine_map<(d0, d1) -> (0, 0, 0, 0, 0)>
module attributes {stable_mosaic.version = 14 : i64} {
  func.func @body(%arg0: i32, %arg1: i32, %arg2: memref<1000000x64xf32, #tpu.memory_space<hbm>>, %arg3: memref<50x16384xi32, #tpu.memory_space<hbm>>, %arg4: memref<50x8x128x8x128xf32, #tpu.memory_space<hbm>>, %arg5: memref<50x512xi32, #tpu.memory_space<vmem>>, %arg6: memref<6x128x64xf32, #tpu.memory_space<vmem>>, %arg7: memref<3x8x8x133xf32, #tpu.memory_space<vmem>>, %arg8: memref<!tpu.dma_semaphore, #tpu.memory_space<semaphore_mem>>, %arg9: memref<!tpu.dma_semaphore, #tpu.memory_space<semaphore_mem>>) attributes {dimension_semantics = [#tpu.dimension_semantics<core_parallel>, #tpu.dimension_semantics<subcore_parallel>], iteration_bounds = array<i64: 2, 16>, scalar_prefetch = 0 : i64, scratch_operands = 5 : i64, tpu.core_type = #tpu.core_type<sc_vector_subcore>, window_params = [{transform_indices = #map}, {transform_indices = #map}, {transform_indices = #map1}]} {
    %mul3A = arith.constant 2 : i32
    %mul3A_0 = arith.muli %arg1, %mul3A : i32
    %add3A = arith.addi %mul3A_0, %arg0 : i32
    %mul3A_1 = arith.constant 512 : i32
    %mul3A_2 = arith.muli %add3A, %mul3A_1 : i32
    "tpu.region"() ({
      %run_scoped3A = tpu.sem_alloc : memref<!tpu.dma_semaphore, #tpu.memory_space<semaphore_mem>>
      %dma_start3A_190 = arith.constant 0 : i32
      %dma_start3A_191 = tpu.memref_slice %arg3[%dma_start3A_190, %mul3A_2] : memref<50x16384xi32, #tpu.memory_space<hbm>> -> memref<50x512xi32, #tpu.memory_space<hbm>>
      %dma_start3A_192 = arith.constant 0 : i32
      %dma_start3A_193 = tpu.memref_slice %arg3[%dma_start3A_192, %mul3A_2] : memref<50x16384xi32, #tpu.memory_space<hbm>> -> memref<50x512xi32, #tpu.memory_space<hbm>>
      tpu.enqueue_dma source(%dma_start3A_193 : memref<50x512xi32, #tpu.memory_space<hbm>>) target(%arg5 : memref<50x512xi32, #tpu.memory_space<vmem>>) target_semaphore(%run_scoped3A : memref<!tpu.dma_semaphore, #tpu.memory_space<semaphore_mem>>)
      %dma_wait3A_194 = arith.constant 0 : i32
      %dma_wait3A_195 = tpu.memref_slice %arg3[%dma_wait3A_194, %mul3A_2] : memref<50x16384xi32, #tpu.memory_space<hbm>> -> memref<50x512xi32, #tpu.memory_space<hbm>>
      %dma_wait3A_196 = arith.constant 0 : i32
      %dma_wait3A_197 = tpu.memref_slice %arg3[%dma_wait3A_196, %mul3A_2] : memref<50x16384xi32, #tpu.memory_space<hbm>> -> memref<50x512xi32, #tpu.memory_space<hbm>>
      tpu.wait_dma2 semaphore(%run_scoped3A : memref<!tpu.dma_semaphore, #tpu.memory_space<semaphore_mem>>) src(%dma_wait3A_197 : memref<50x512xi32, #tpu.memory_space<hbm>>) dst(%arg5 : memref<50x512xi32, #tpu.memory_space<vmem>>)
      tpu.yield
    }) : () -> ()
    %iota3A = tpu.iota {dimensions = array<i32: 0>} : vector<16xi32>
    %add3A_3 = arith.constant 0 : i32
    %add3A_4 = vector.broadcast %add3A_3 : i32 to vector<16xi32>
    %add3A_5 = arith.addi %iota3A, %add3A_4 : vector<16xi32>
    %shift_right_arithmetic3A = arith.constant 3 : i32
    %shift_right_arithmetic3A_6 = vector.broadcast %shift_right_arithmetic3A : i32 to vector<16xi32>
    %shift_right_arithmetic3A_7 = arith.shrsi %add3A_5, %shift_right_arithmetic3A_6 : vector<16xi32>
    %add3A_8 = arith.constant 16 : i32
    %add3A_9 = vector.broadcast %add3A_8 : i32 to vector<16xi32>
    %add3A_10 = arith.addi %iota3A, %add3A_9 : vector<16xi32>
    %shift_right_arithmetic3A_11 = arith.constant 3 : i32
    %shift_right_arithmetic3A_12 = vector.broadcast %shift_right_arithmetic3A_11 : i32 to vector<16xi32>
    %shift_right_arithmetic3A_13 = arith.shrsi %add3A_10, %shift_right_arithmetic3A_12 : vector<16xi32>
    %add3A_14 = arith.constant 32 : i32
    %add3A_15 = vector.broadcast %add3A_14 : i32 to vector<16xi32>
    %add3A_16 = arith.addi %iota3A, %add3A_15 : vector<16xi32>
    %shift_right_arithmetic3A_17 = arith.constant 3 : i32
    %shift_right_arithmetic3A_18 = vector.broadcast %shift_right_arithmetic3A_17 : i32 to vector<16xi32>
    %shift_right_arithmetic3A_19 = arith.shrsi %add3A_16, %shift_right_arithmetic3A_18 : vector<16xi32>
    %add3A_20 = arith.constant 48 : i32
    %add3A_21 = vector.broadcast %add3A_20 : i32 to vector<16xi32>
    %add3A_22 = arith.addi %iota3A, %add3A_21 : vector<16xi32>
    %shift_right_arithmetic3A_23 = arith.constant 3 : i32
    %shift_right_arithmetic3A_24 = vector.broadcast %shift_right_arithmetic3A_23 : i32 to vector<16xi32>
    %shift_right_arithmetic3A_25 = arith.shrsi %add3A_22, %shift_right_arithmetic3A_24 : vector<16xi32>
    %add3A_26 = arith.constant 0 : i32
    %add3A_27 = vector.broadcast %add3A_26 : i32 to vector<16xi32>
    %add3A_28 = arith.addi %iota3A, %add3A_27 : vector<16xi32>
    %and3A = arith.constant 7 : i32
    %and3A_29 = vector.broadcast %and3A : i32 to vector<16xi32>
    %and3A_30 = arith.andi %add3A_28, %and3A_29 : vector<16xi32>
    %add3A_31 = arith.constant 16 : i32
    %add3A_32 = vector.broadcast %add3A_31 : i32 to vector<16xi32>
    %add3A_33 = arith.addi %iota3A, %add3A_32 : vector<16xi32>
    %and3A_34 = arith.constant 7 : i32
    %and3A_35 = vector.broadcast %and3A_34 : i32 to vector<16xi32>
    %and3A_36 = arith.andi %add3A_33, %and3A_35 : vector<16xi32>
    %add3A_37 = arith.constant 32 : i32
    %add3A_38 = vector.broadcast %add3A_37 : i32 to vector<16xi32>
    %add3A_39 = arith.addi %iota3A, %add3A_38 : vector<16xi32>
    %and3A_40 = arith.constant 7 : i32
    %and3A_41 = vector.broadcast %and3A_40 : i32 to vector<16xi32>
    %and3A_42 = arith.andi %add3A_39, %and3A_41 : vector<16xi32>
    %add3A_43 = arith.constant 48 : i32
    %add3A_44 = vector.broadcast %add3A_43 : i32 to vector<16xi32>
    %add3A_45 = arith.addi %iota3A, %add3A_44 : vector<16xi32>
    %and3A_46 = arith.constant 7 : i32
    %and3A_47 = vector.broadcast %and3A_46 : i32 to vector<16xi32>
    %and3A_48 = arith.andi %add3A_45, %and3A_47 : vector<16xi32>
    %dma_start3A = arith.constant 0 : i32
    %dma_start3A_49 = arith.constant 0 : i32
    %dma_start3A_50 = arith.constant 0 : i32
    %dma_start3A_51 = arith.constant 0 : i32
    %dma_start3A_52 = tpu.memref_slice %arg6[%dma_start3A_49, %dma_start3A_50, %dma_start3A_51] : memref<6x128x64xf32, #tpu.memory_space<vmem>> -> memref<1x128x64xf32, #tpu.memory_space<vmem>>
    %dma_start3A_53 = tpu.memref_squeeze %dma_start3A_52 : memref<1x128x64xf32, #tpu.memory_space<vmem>> -> memref<128x64xf32, #tpu.memory_space<vmem>>
    %dma_start3A_54 = arith.constant 0 : i32
    %dma_start3A_55 = tpu.memref_slice %arg5[%dma_start3A, %dma_start3A_54] : memref<50x512xi32, #tpu.memory_space<vmem>> -> memref<1x128xi32, #tpu.memory_space<vmem>>
    %dma_start3A_56 = tpu.memref_squeeze %dma_start3A_55 : memref<1x128xi32, #tpu.memory_space<vmem>> -> memref<128xi32, #tpu.memory_space<vmem>>
    %dma_start3A_57 = arith.constant 0 : i32
    %dma_start3A_58 = arith.constant 0 : i32
    %dma_start3A_59 = tpu.memref_slice %arg2[%dma_start3A_57, %dma_start3A_58] : memref<1000000x64xf32, #tpu.memory_space<hbm>> -> memref<1000000x64xf32, #tpu.memory_space<hbm>>
    tpu.enqueue_indirect_dma source(%dma_start3A_59 : memref<1000000x64xf32, #tpu.memory_space<hbm>>) target(%dma_start3A_53 : memref<128x64xf32, #tpu.memory_space<vmem>>) offsets(%dma_start3A_56 : memref<128xi32, #tpu.memory_space<vmem>>) semaphore(%arg8 : memref<!tpu.dma_semaphore, #tpu.memory_space<semaphore_mem>>)
    %dma_start3A_60 = arith.constant 0 : i32
    %dma_start3A_61 = arith.constant 1 : i32
    %dma_start3A_62 = arith.constant 0 : i32
    %dma_start3A_63 = arith.constant 0 : i32
    %dma_start3A_64 = tpu.memref_slice %arg6[%dma_start3A_61, %dma_start3A_62, %dma_start3A_63] : memref<6x128x64xf32, #tpu.memory_space<vmem>> -> memref<1x128x64xf32, #tpu.memory_space<vmem>>
    %dma_start3A_65 = tpu.memref_squeeze %dma_start3A_64 : memref<1x128x64xf32, #tpu.memory_space<vmem>> -> memref<128x64xf32, #tpu.memory_space<vmem>>
    %dma_start3A_66 = arith.constant 128 : i32
    %dma_start3A_67 = tpu.memref_slice %arg5[%dma_start3A_60, %dma_start3A_66] : memref<50x512xi32, #tpu.memory_space<vmem>> -> memref<1x128xi32, #tpu.memory_space<vmem>>
    %dma_start3A_68 = tpu.memref_squeeze %dma_start3A_67 : memref<1x128xi32, #tpu.memory_space<vmem>> -> memref<128xi32, #tpu.memory_space<vmem>>
    %dma_start3A_69 = arith.constant 0 : i32
    %dma_start3A_70 = arith.constant 0 : i32
    %dma_start3A_71 = tpu.memref_slice %arg2[%dma_start3A_69, %dma_start3A_70] : memref<1000000x64xf32, #tpu.memory_space<hbm>> -> memref<1000000x64xf32, #tpu.memory_space<hbm>>
    tpu.enqueue_indirect_dma source(%dma_start3A_71 : memref<1000000x64xf32, #tpu.memory_space<hbm>>) target(%dma_start3A_65 : memref<128x64xf32, #tpu.memory_space<vmem>>) offsets(%dma_start3A_68 : memref<128xi32, #tpu.memory_space<vmem>>) semaphore(%arg8 : memref<!tpu.dma_semaphore, #tpu.memory_space<semaphore_mem>>)
    %dma_start3A_72 = arith.constant 0 : i32
    %dma_start3A_73 = arith.constant 2 : i32
    %dma_start3A_74 = arith.constant 0 : i32
    %dma_start3A_75 = arith.constant 0 : i32
    %dma_start3A_76 = tpu.memref_slice %arg6[%dma_start3A_73, %dma_start3A_74, %dma_start3A_75] : memref<6x128x64xf32, #tpu.memory_space<vmem>> -> memref<1x128x64xf32, #tpu.memory_space<vmem>>
    %dma_start3A_77 = tpu.memref_squeeze %dma_start3A_76 : memref<1x128x64xf32, #tpu.memory_space<vmem>> -> memref<128x64xf32, #tpu.memory_space<vmem>>
    %dma_start3A_78 = arith.constant 256 : i32
    %dma_start3A_79 = tpu.memref_slice %arg5[%dma_start3A_72, %dma_start3A_78] : memref<50x512xi32, #tpu.memory_space<vmem>> -> memref<1x128xi32, #tpu.memory_space<vmem>>
    %dma_start3A_80 = tpu.memref_squeeze %dma_start3A_79 : memref<1x128xi32, #tpu.memory_space<vmem>> -> memref<128xi32, #tpu.memory_space<vmem>>
    %dma_start3A_81 = arith.constant 0 : i32
    %dma_start3A_82 = arith.constant 0 : i32
    %dma_start3A_83 = tpu.memref_slice %arg2[%dma_start3A_81, %dma_start3A_82] : memref<1000000x64xf32, #tpu.memory_space<hbm>> -> memref<1000000x64xf32, #tpu.memory_space<hbm>>
    tpu.enqueue_indirect_dma source(%dma_start3A_83 : memref<1000000x64xf32, #tpu.memory_space<hbm>>) target(%dma_start3A_77 : memref<128x64xf32, #tpu.memory_space<vmem>>) offsets(%dma_start3A_80 : memref<128xi32, #tpu.memory_space<vmem>>) semaphore(%arg8 : memref<!tpu.dma_semaphore, #tpu.memory_space<semaphore_mem>>)
    %dma_start3A_84 = arith.constant 0 : i32
    %dma_start3A_85 = arith.constant 3 : i32
    %dma_start3A_86 = arith.constant 0 : i32
    %dma_start3A_87 = arith.constant 0 : i32
    %dma_start3A_88 = tpu.memref_slice %arg6[%dma_start3A_85, %dma_start3A_86, %dma_start3A_87] : memref<6x128x64xf32, #tpu.memory_space<vmem>> -> memref<1x128x64xf32, #tpu.memory_space<vmem>>
    %dma_start3A_89 = tpu.memref_squeeze %dma_start3A_88 : memref<1x128x64xf32, #tpu.memory_space<vmem>> -> memref<128x64xf32, #tpu.memory_space<vmem>>
    %dma_start3A_90 = arith.constant 384 : i32
    %dma_start3A_91 = tpu.memref_slice %arg5[%dma_start3A_84, %dma_start3A_90] : memref<50x512xi32, #tpu.memory_space<vmem>> -> memref<1x128xi32, #tpu.memory_space<vmem>>
    %dma_start3A_92 = tpu.memref_squeeze %dma_start3A_91 : memref<1x128xi32, #tpu.memory_space<vmem>> -> memref<128xi32, #tpu.memory_space<vmem>>
    %dma_start3A_93 = arith.constant 0 : i32
    %dma_start3A_94 = arith.constant 0 : i32
    %dma_start3A_95 = tpu.memref_slice %arg2[%dma_start3A_93, %dma_start3A_94] : memref<1000000x64xf32, #tpu.memory_space<hbm>> -> memref<1000000x64xf32, #tpu.memory_space<hbm>>
    tpu.enqueue_indirect_dma source(%dma_start3A_95 : memref<1000000x64xf32, #tpu.memory_space<hbm>>) target(%dma_start3A_89 : memref<128x64xf32, #tpu.memory_space<vmem>>) offsets(%dma_start3A_92 : memref<128xi32, #tpu.memory_space<vmem>>) semaphore(%arg8 : memref<!tpu.dma_semaphore, #tpu.memory_space<semaphore_mem>>)
    %dma_start3A_96 = arith.constant 1 : i32
    %dma_start3A_97 = arith.constant 4 : i32
    %dma_start3A_98 = arith.constant 0 : i32
    %dma_start3A_99 = arith.constant 0 : i32
    %dma_start3A_100 = tpu.memref_slice %arg6[%dma_start3A_97, %dma_start3A_98, %dma_start3A_99] : memref<6x128x64xf32, #tpu.memory_space<vmem>> -> memref<1x128x64xf32, #tpu.memory_space<vmem>>
    %dma_start3A_101 = tpu.memref_squeeze %dma_start3A_100 : memref<1x128x64xf32, #tpu.memory_space<vmem>> -> memref<128x64xf32, #tpu.memory_space<vmem>>
    %dma_start3A_102 = arith.constant 0 : i32
    %dma_start3A_103 = tpu.memref_slice %arg5[%dma_start3A_96, %dma_start3A_102] : memref<50x512xi32, #tpu.memory_space<vmem>> -> memref<1x128xi32, #tpu.memory_space<vmem>>
    %dma_start3A_104 = tpu.memref_squeeze %dma_start3A_103 : memref<1x128xi32, #tpu.memory_space<vmem>> -> memref<128xi32, #tpu.memory_space<vmem>>
    %dma_start3A_105 = arith.constant 0 : i32
    %dma_start3A_106 = arith.constant 0 : i32
    %dma_start3A_107 = tpu.memref_slice %arg2[%dma_start3A_105, %dma_start3A_106] : memref<1000000x64xf32, #tpu.memory_space<hbm>> -> memref<1000000x64xf32, #tpu.memory_space<hbm>>
    tpu.enqueue_indirect_dma source(%dma_start3A_107 : memref<1000000x64xf32, #tpu.memory_space<hbm>>) target(%dma_start3A_101 : memref<128x64xf32, #tpu.memory_space<vmem>>) offsets(%dma_start3A_104 : memref<128xi32, #tpu.memory_space<vmem>>) semaphore(%arg8 : memref<!tpu.dma_semaphore, #tpu.memory_space<semaphore_mem>>)
    %scan3A = arith.constant 0 : i32
    %scan3A_108 = arith.constant 0 : i32
    %scan3A_109 = arith.constant 200 : i32
    %scan3A_110 = arith.addi %scan3A_108, %scan3A_109 : i32
    %scan3A_111 = arith.constant 1 : i32
    scf.for %scan3A_190 = %scan3A_108 to %scan3A_110 step %scan3A_111  : i32 {
      %jit3A = arith.constant 6 : i32
      %eq3A = arith.constant 0 : i32
      %eq3A_191 = arith.cmpi eq, %jit3A, %eq3A : i32
      %jit3A_192 = arith.constant 1 : i32
      %select_n3A = arith.select %eq3A_191, %jit3A_192, %jit3A : i32
      %rem3A = arith.remsi %scan3A_190, %select_n3A : i32
      %ne3A = arith.constant 0 : i32
      %ne3A_193 = arith.cmpi ne, %rem3A, %ne3A : i32
      %lt3A = arith.constant 0 : i32
      %lt3A_194 = arith.cmpi slt, %rem3A, %lt3A : i32
      %lt3A_195 = arith.constant 0 : i32
      %lt3A_196 = arith.cmpi slt, %select_n3A, %lt3A_195 : i32
      %ne3A_197 = arith.xori %lt3A_194, %lt3A_196 : i1
      %and3A_198 = arith.andi %ne3A_197, %ne3A_193 : i1
      %add3A_199 = arith.addi %rem3A, %select_n3A : i32
      %select_n3A_200 = arith.select %and3A_198, %add3A_199, %rem3A : i32
      %jit3A_201 = arith.constant 4 : i32
      %div3A = arith.divsi %scan3A_190, %jit3A_201 : i32
      %sign3A = arith.constant 0 : i32
      %sign3A_202 = arith.cmpi sgt, %scan3A_190, %sign3A : i32
      %sign3A_203 = arith.extui %sign3A_202 : i1 to i32
      %sign3A_204 = arith.constant 0 : i32
      %sign3A_205 = arith.cmpi slt, %scan3A_190, %sign3A_204 : i32
      %sign3A_206 = arith.extui %sign3A_205 : i1 to i32
      %sign3A_207 = arith.subi %sign3A_203, %sign3A_206 : i32
      %sign3A_208 = arith.constant 0 : i32
      %sign3A_209 = arith.cmpi sgt, %jit3A_201, %sign3A_208 : i32
      %sign3A_210 = arith.extui %sign3A_209 : i1 to i32
      %sign3A_211 = arith.constant 0 : i32
      %sign3A_212 = arith.cmpi slt, %jit3A_201, %sign3A_211 : i32
      %sign3A_213 = arith.extui %sign3A_212 : i1 to i32
      %sign3A_214 = arith.subi %sign3A_210, %sign3A_213 : i32
      %ne3A_215 = arith.cmpi ne, %sign3A_207, %sign3A_214 : i32
      %rem3A_216 = arith.remsi %scan3A_190, %jit3A_201 : i32
      %ne3A_217 = arith.constant 0 : i32
      %ne3A_218 = arith.cmpi ne, %rem3A_216, %ne3A_217 : i32
      %and3A_219 = arith.andi %ne3A_215, %ne3A_218 : i1
      %sub3A = arith.constant 1 : i32
      %sub3A_220 = arith.subi %div3A, %sub3A : i32
      %select_n3A_221 = arith.select %and3A_219, %sub3A_220, %div3A : i32
      %jit3A_222 = arith.constant 4 : i32
      %eq3A_223 = arith.constant 0 : i32
      %eq3A_224 = arith.cmpi eq, %jit3A_222, %eq3A_223 : i32
      %jit3A_225 = arith.constant 1 : i32
      %select_n3A_226 = arith.select %eq3A_224, %jit3A_225, %jit3A_222 : i32
      %rem3A_227 = arith.remsi %scan3A_190, %select_n3A_226 : i32
      %ne3A_228 = arith.constant 0 : i32
      %ne3A_229 = arith.cmpi ne, %rem3A_227, %ne3A_228 : i32
      %lt3A_230 = arith.constant 0 : i32
      %lt3A_231 = arith.cmpi slt, %rem3A_227, %lt3A_230 : i32
      %lt3A_232 = arith.constant 0 : i32
      %lt3A_233 = arith.cmpi slt, %select_n3A_226, %lt3A_232 : i32
      %ne3A_234 = arith.xori %lt3A_231, %lt3A_233 : i1
      %and3A_235 = arith.andi %ne3A_234, %ne3A_229 : i1
      %add3A_236 = arith.addi %rem3A_227, %select_n3A_226 : i32
      %select_n3A_237 = arith.select %and3A_235, %add3A_236, %rem3A_227 : i32
      %mul3A_238 = arith.constant 128 : i32
      %mul3A_239 = arith.muli %select_n3A_237, %mul3A_238 : i32
      %dma_wait3A_240 = arith.constant 0 : i32
      %dma_wait3A_241 = arith.constant 0 : i32
      %dma_wait3A_242 = tpu.memref_slice %arg6[%select_n3A_200, %dma_wait3A_240, %dma_wait3A_241] : memref<6x128x64xf32, #tpu.memory_space<vmem>> -> memref<1x128x64xf32, #tpu.memory_space<vmem>>
      %dma_wait3A_243 = tpu.memref_squeeze %dma_wait3A_242 : memref<1x128x64xf32, #tpu.memory_space<vmem>> -> memref<128x64xf32, #tpu.memory_space<vmem>>
      %dma_wait3A_244 = tpu.memref_slice %arg5[%select_n3A_221, %mul3A_239] : memref<50x512xi32, #tpu.memory_space<vmem>> -> memref<1x128xi32, #tpu.memory_space<vmem>>
      %dma_wait3A_245 = tpu.memref_squeeze %dma_wait3A_244 : memref<1x128xi32, #tpu.memory_space<vmem>> -> memref<128xi32, #tpu.memory_space<vmem>>
      %dma_wait3A_246 = arith.constant 0 : i32
      %dma_wait3A_247 = arith.constant 0 : i32
      %dma_wait3A_248 = tpu.memref_slice %arg2[%dma_wait3A_246, %dma_wait3A_247] : memref<1000000x64xf32, #tpu.memory_space<hbm>> -> memref<1000000x64xf32, #tpu.memory_space<hbm>>
      tpu.wait_indirect_dma semaphore(%arg8 : memref<!tpu.dma_semaphore, #tpu.memory_space<semaphore_mem>>) src(%dma_wait3A_248 : memref<1000000x64xf32, #tpu.memory_space<hbm>>) dst(%dma_wait3A_243 : memref<128x64xf32, #tpu.memory_space<vmem>>)
      %ge3A = arith.constant 3 : i32
      %ge3A_249 = arith.cmpi sge, %scan3A_190, %ge3A : i32
      %convert_element_type3A = arith.extui %ge3A_249 : i1 to i32
      %cond3A = arith.constant 0 : i32
      %cond3A_250 = arith.cmpi ne, %convert_element_type3A, %cond3A : i32
      scf.if %cond3A_250 {
        %sub3A_373 = arith.constant 3 : i32
        %sub3A_374 = arith.subi %scan3A_190, %sub3A_373 : i32
        %jit3A_375 = arith.constant 3 : i32
        %eq3A_376 = arith.constant 0 : i32
        %eq3A_377 = arith.cmpi eq, %jit3A_375, %eq3A_376 : i32
        %jit3A_378 = arith.constant 1 : i32
        %select_n3A_379 = arith.select %eq3A_377, %jit3A_378, %jit3A_375 : i32
        %rem3A_380 = arith.remsi %scan3A_190, %select_n3A_379 : i32
        %ne3A_381 = arith.constant 0 : i32
        %ne3A_382 = arith.cmpi ne, %rem3A_380, %ne3A_381 : i32
        %lt3A_383 = arith.constant 0 : i32
        %lt3A_384 = arith.cmpi slt, %rem3A_380, %lt3A_383 : i32
        %lt3A_385 = arith.constant 0 : i32
        %lt3A_386 = arith.cmpi slt, %select_n3A_379, %lt3A_385 : i32
        %ne3A_387 = arith.xori %lt3A_384, %lt3A_386 : i1
        %and3A_388 = arith.andi %ne3A_387, %ne3A_382 : i1
        %add3A_389 = arith.addi %rem3A_380, %select_n3A_379 : i32
        %select_n3A_390 = arith.select %and3A_388, %add3A_389, %rem3A_380 : i32
        %jit3A_391 = arith.constant 4 : i32
        %div3A_392 = arith.divsi %sub3A_374, %jit3A_391 : i32
        %sign3A_393 = arith.constant 0 : i32
        %sign3A_394 = arith.cmpi sgt, %sub3A_374, %sign3A_393 : i32
        %sign3A_395 = arith.extui %sign3A_394 : i1 to i32
        %sign3A_396 = arith.constant 0 : i32
        %sign3A_397 = arith.cmpi slt, %sub3A_374, %sign3A_396 : i32
        %sign3A_398 = arith.extui %sign3A_397 : i1 to i32
        %sign3A_399 = arith.subi %sign3A_395, %sign3A_398 : i32
        %sign3A_400 = arith.constant 0 : i32
        %sign3A_401 = arith.cmpi sgt, %jit3A_391, %sign3A_400 : i32
        %sign3A_402 = arith.extui %sign3A_401 : i1 to i32
        %sign3A_403 = arith.constant 0 : i32
        %sign3A_404 = arith.cmpi slt, %jit3A_391, %sign3A_403 : i32
        %sign3A_405 = arith.extui %sign3A_404 : i1 to i32
        %sign3A_406 = arith.subi %sign3A_402, %sign3A_405 : i32
        %ne3A_407 = arith.cmpi ne, %sign3A_399, %sign3A_406 : i32
        %rem3A_408 = arith.remsi %sub3A_374, %jit3A_391 : i32
        %ne3A_409 = arith.constant 0 : i32
        %ne3A_410 = arith.cmpi ne, %rem3A_408, %ne3A_409 : i32
        %and3A_411 = arith.andi %ne3A_407, %ne3A_410 : i1
        %sub3A_412 = arith.constant 1 : i32
        %sub3A_413 = arith.subi %div3A_392, %sub3A_412 : i32
        %select_n3A_414 = arith.select %and3A_411, %sub3A_413, %div3A_392 : i32
        %mul3A_415 = arith.constant 4 : i32
        %mul3A_416 = arith.muli %add3A, %mul3A_415 : i32
        %jit3A_417 = arith.constant 4 : i32
        %eq3A_418 = arith.constant 0 : i32
        %eq3A_419 = arith.cmpi eq, %jit3A_417, %eq3A_418 : i32
        %jit3A_420 = arith.constant 1 : i32
        %select_n3A_421 = arith.select %eq3A_419, %jit3A_420, %jit3A_417 : i32
        %rem3A_422 = arith.remsi %sub3A_374, %select_n3A_421 : i32
        %ne3A_423 = arith.constant 0 : i32
        %ne3A_424 = arith.cmpi ne, %rem3A_422, %ne3A_423 : i32
        %lt3A_425 = arith.constant 0 : i32
        %lt3A_426 = arith.cmpi slt, %rem3A_422, %lt3A_425 : i32
        %lt3A_427 = arith.constant 0 : i32
        %lt3A_428 = arith.cmpi slt, %select_n3A_421, %lt3A_427 : i32
        %ne3A_429 = arith.xori %lt3A_426, %lt3A_428 : i1
        %and3A_430 = arith.andi %ne3A_429, %ne3A_424 : i1
        %add3A_431 = arith.addi %rem3A_422, %select_n3A_421 : i32
        %select_n3A_432 = arith.select %and3A_430, %add3A_431, %rem3A_422 : i32
        %add3A_433 = arith.addi %mul3A_416, %select_n3A_432 : i32
        %dma_wait3A_434 = arith.constant 0 : i32
        %dma_wait3A_435 = arith.constant 0 : i32
        %dma_wait3A_436 = arith.constant 0 : i32
        %dma_wait3A_437 = tpu.memref_slice %arg7[%select_n3A_390, %dma_wait3A_434, %dma_wait3A_435, %dma_wait3A_436] : memref<3x8x8x133xf32, #tpu.memory_space<vmem>> -> memref<1x8x8x128xf32, #tpu.memory_space<vmem>>
        %dma_wait3A_438 = tpu.memref_squeeze %dma_wait3A_437 : memref<1x8x8x128xf32, #tpu.memory_space<vmem>> -> memref<8x8x128xf32, #tpu.memory_space<vmem>>
        %dma_wait3A_439 = arith.constant 0 : i32
        %dma_wait3A_440 = arith.constant 0 : i32
        %dma_wait3A_441 = arith.constant 0 : i32
        %dma_wait3A_442 = tpu.memref_slice %arg4[%select_n3A_414, %dma_wait3A_439, %add3A_433, %dma_wait3A_440, %dma_wait3A_441] : memref<50x8x128x8x128xf32, #tpu.memory_space<hbm>> -> memref<1x8x1x8x128xf32, #tpu.memory_space<hbm>>
        %dma_wait3A_443 = tpu.memref_squeeze %dma_wait3A_442 : memref<1x8x1x8x128xf32, #tpu.memory_space<hbm>> -> memref<8x8x128xf32, #tpu.memory_space<hbm>>
        %dma_wait3A_444 = arith.constant 0 : i32
        %dma_wait3A_445 = arith.constant 0 : i32
        %dma_wait3A_446 = arith.constant 0 : i32
        %dma_wait3A_447 = tpu.memref_slice %arg4[%select_n3A_414, %dma_wait3A_444, %add3A_433, %dma_wait3A_445, %dma_wait3A_446] : memref<50x8x128x8x128xf32, #tpu.memory_space<hbm>> -> memref<1x8x1x8x128xf32, #tpu.memory_space<hbm>>
        %dma_wait3A_448 = tpu.memref_squeeze %dma_wait3A_447 : memref<1x8x1x8x128xf32, #tpu.memory_space<hbm>> -> memref<8x8x128xf32, #tpu.memory_space<hbm>>
        %dma_wait3A_449 = arith.constant 0 : i32
        %dma_wait3A_450 = arith.constant 0 : i32
        %dma_wait3A_451 = arith.constant 0 : i32
        %dma_wait3A_452 = tpu.memref_slice %arg7[%select_n3A_390, %dma_wait3A_449, %dma_wait3A_450, %dma_wait3A_451] : memref<3x8x8x133xf32, #tpu.memory_space<vmem>> -> memref<1x8x8x128xf32, #tpu.memory_space<vmem>>
        %dma_wait3A_453 = tpu.memref_squeeze %dma_wait3A_452 : memref<1x8x8x128xf32, #tpu.memory_space<vmem>> -> memref<8x8x128xf32, #tpu.memory_space<vmem>>
        tpu.wait_dma2 semaphore(%arg9 : memref<!tpu.dma_semaphore, #tpu.memory_space<semaphore_mem>>) src(%dma_wait3A_453 : memref<8x8x128xf32, #tpu.memory_space<vmem>>) dst(%dma_wait3A_448 : memref<8x8x128xf32, #tpu.memory_space<hbm>>)
      } else {
      }
      %jit3A_251 = arith.constant 6 : i32
      %eq3A_252 = arith.constant 0 : i32
      %eq3A_253 = arith.cmpi eq, %jit3A_251, %eq3A_252 : i32
      %jit3A_254 = arith.constant 1 : i32
      %select_n3A_255 = arith.select %eq3A_253, %jit3A_254, %jit3A_251 : i32
      %rem3A_256 = arith.remsi %scan3A_190, %select_n3A_255 : i32
      %ne3A_257 = arith.constant 0 : i32
      %ne3A_258 = arith.cmpi ne, %rem3A_256, %ne3A_257 : i32
      %lt3A_259 = arith.constant 0 : i32
      %lt3A_260 = arith.cmpi slt, %rem3A_256, %lt3A_259 : i32
      %lt3A_261 = arith.constant 0 : i32
      %lt3A_262 = arith.cmpi slt, %select_n3A_255, %lt3A_261 : i32
      %ne3A_263 = arith.xori %lt3A_260, %lt3A_262 : i1
      %and3A_264 = arith.andi %ne3A_263, %ne3A_258 : i1
      %add3A_265 = arith.addi %rem3A_256, %select_n3A_255 : i32
      %select_n3A_266 = arith.select %and3A_264, %add3A_265, %rem3A_256 : i32
      %jit3A_267 = arith.constant 3 : i32
      %eq3A_268 = arith.constant 0 : i32
      %eq3A_269 = arith.cmpi eq, %jit3A_267, %eq3A_268 : i32
      %jit3A_270 = arith.constant 1 : i32
      %select_n3A_271 = arith.select %eq3A_269, %jit3A_270, %jit3A_267 : i32
      %rem3A_272 = arith.remsi %scan3A_190, %select_n3A_271 : i32
      %ne3A_273 = arith.constant 0 : i32
      %ne3A_274 = arith.cmpi ne, %rem3A_272, %ne3A_273 : i32
      %lt3A_275 = arith.constant 0 : i32
      %lt3A_276 = arith.cmpi slt, %rem3A_272, %lt3A_275 : i32
      %lt3A_277 = arith.constant 0 : i32
      %lt3A_278 = arith.cmpi slt, %select_n3A_271, %lt3A_277 : i32
      %ne3A_279 = arith.xori %lt3A_276, %lt3A_278 : i1
      %and3A_280 = arith.andi %ne3A_279, %ne3A_274 : i1
      %add3A_281 = arith.addi %rem3A_272, %select_n3A_271 : i32
      %select_n3A_282 = arith.select %and3A_280, %add3A_281, %rem3A_272 : i32
      %parallel_loop3A = arith.constant 0 : i32
      %parallel_loop3A_283 = arith.constant 128 : i32
      %parallel_loop3A_284 = arith.constant 1 : i32
      scf.for %parallel_loop3A_373 = %parallel_loop3A to %parallel_loop3A_283 step %parallel_loop3A_284  : i32 {
        %parallel_loop3A_374 = vector.broadcast %parallel_loop3A_373 : i32 to vector<16xi32>
        %parallel_loop3A_375 = arith.index_cast %select_n3A_266 : i32 to index
        %parallel_loop3A_376 = arith.index_cast %parallel_loop3A_373 : i32 to index
        %parallel_loop3A_377 = arith.constant 0 : index
        %parallel_loop3A_378 = tpu.vector_load %arg6[%parallel_loop3A_375, %parallel_loop3A_376, %parallel_loop3A_377] {strides = array<i32>} : memref<6x128x64xf32, #tpu.memory_space<vmem>>, vector<16xf32>,
        %parallel_loop3A_379 = arith.constant 0 : i32
        %parallel_loop3A_380 = arith.constant 0 : i32
        %parallel_loop3A_381 = arith.constant 0 : i32
        %parallel_loop3A_382 = tpu.memref_slice %arg7[%select_n3A_282, %parallel_loop3A_379, %parallel_loop3A_380, %parallel_loop3A_381] : memref<3x8x8x133xf32, #tpu.memory_space<vmem>> -> memref<1x8x8x133xf32, #tpu.memory_space<vmem>>
        %parallel_loop3A_383 = tpu.memref_squeeze %parallel_loop3A_382 : memref<1x8x8x133xf32, #tpu.memory_space<vmem>> -> memref<8x8x133xf32, #tpu.memory_space<vmem>>
        tpu.vector_store_idx %parallel_loop3A_383[%shift_right_arithmetic3A_7, %and3A_30, %parallel_loop3A_374], %parallel_loop3A_378 : memref<8x8x133xf32, #tpu.memory_space<vmem>>[vector<16xi32>, vector<16xi32>, vector<16xi32>], vector<16xf32>,
        %parallel_loop3A_384 = arith.index_cast %select_n3A_266 : i32 to index
        %parallel_loop3A_385 = arith.index_cast %parallel_loop3A_373 : i32 to index
        %parallel_loop3A_386 = arith.constant 16 : index
        %parallel_loop3A_387 = tpu.vector_load %arg6[%parallel_loop3A_384, %parallel_loop3A_385, %parallel_loop3A_386] {strides = array<i32>} : memref<6x128x64xf32, #tpu.memory_space<vmem>>, vector<16xf32>,
        %parallel_loop3A_388 = arith.constant 0 : i32
        %parallel_loop3A_389 = arith.constant 0 : i32
        %parallel_loop3A_390 = arith.constant 0 : i32
        %parallel_loop3A_391 = tpu.memref_slice %arg7[%select_n3A_282, %parallel_loop3A_388, %parallel_loop3A_389, %parallel_loop3A_390] : memref<3x8x8x133xf32, #tpu.memory_space<vmem>> -> memref<1x8x8x133xf32, #tpu.memory_space<vmem>>
        %parallel_loop3A_392 = tpu.memref_squeeze %parallel_loop3A_391 : memref<1x8x8x133xf32, #tpu.memory_space<vmem>> -> memref<8x8x133xf32, #tpu.memory_space<vmem>>
        tpu.vector_store_idx %parallel_loop3A_392[%shift_right_arithmetic3A_13, %and3A_36, %parallel_loop3A_374], %parallel_loop3A_387 : memref<8x8x133xf32, #tpu.memory_space<vmem>>[vector<16xi32>, vector<16xi32>, vector<16xi32>], vector<16xf32>,
        %parallel_loop3A_393 = arith.index_cast %select_n3A_266 : i32 to index
        %parallel_loop3A_394 = arith.index_cast %parallel_loop3A_373 : i32 to index
        %parallel_loop3A_395 = arith.constant 32 : index
        %parallel_loop3A_396 = tpu.vector_load %arg6[%parallel_loop3A_393, %parallel_loop3A_394, %parallel_loop3A_395] {strides = array<i32>} : memref<6x128x64xf32, #tpu.memory_space<vmem>>, vector<16xf32>,
        %parallel_loop3A_397 = arith.constant 0 : i32
        %parallel_loop3A_398 = arith.constant 0 : i32
        %parallel_loop3A_399 = arith.constant 0 : i32
        %parallel_loop3A_400 = tpu.memref_slice %arg7[%select_n3A_282, %parallel_loop3A_397, %parallel_loop3A_398, %parallel_loop3A_399] : memref<3x8x8x133xf32, #tpu.memory_space<vmem>> -> memref<1x8x8x133xf32, #tpu.memory_space<vmem>>
        %parallel_loop3A_401 = tpu.memref_squeeze %parallel_loop3A_400 : memref<1x8x8x133xf32, #tpu.memory_space<vmem>> -> memref<8x8x133xf32, #tpu.memory_space<vmem>>
        tpu.vector_store_idx %parallel_loop3A_401[%shift_right_arithmetic3A_19, %and3A_42, %parallel_loop3A_374], %parallel_loop3A_396 : memref<8x8x133xf32, #tpu.memory_space<vmem>>[vector<16xi32>, vector<16xi32>, vector<16xi32>], vector<16xf32>,
        %parallel_loop3A_402 = arith.index_cast %select_n3A_266 : i32 to index
        %parallel_loop3A_403 = arith.index_cast %parallel_loop3A_373 : i32 to index
        %parallel_loop3A_404 = arith.constant 48 : index
        %parallel_loop3A_405 = tpu.vector_load %arg6[%parallel_loop3A_402, %parallel_loop3A_403, %parallel_loop3A_404] {strides = array<i32>} : memref<6x128x64xf32, #tpu.memory_space<vmem>>, vector<16xf32>,
        %parallel_loop3A_406 = arith.constant 0 : i32
        %parallel_loop3A_407 = arith.constant 0 : i32
        %parallel_loop3A_408 = arith.constant 0 : i32
        %parallel_loop3A_409 = tpu.memref_slice %arg7[%select_n3A_282, %parallel_loop3A_406, %parallel_loop3A_407, %parallel_loop3A_408] : memref<3x8x8x133xf32, #tpu.memory_space<vmem>> -> memref<1x8x8x133xf32, #tpu.memory_space<vmem>>
        %parallel_loop3A_410 = tpu.memref_squeeze %parallel_loop3A_409 : memref<1x8x8x133xf32, #tpu.memory_space<vmem>> -> memref<8x8x133xf32, #tpu.memory_space<vmem>>
        tpu.vector_store_idx %parallel_loop3A_410[%shift_right_arithmetic3A_25, %and3A_48, %parallel_loop3A_374], %parallel_loop3A_405 : memref<8x8x133xf32, #tpu.memory_space<vmem>>[vector<16xi32>, vector<16xi32>, vector<16xi32>], vector<16xf32>,
      } {sc.loop_unroll_factor = 8 : i64, sc.parallel_access}
      %jit3A_285 = arith.constant 3 : i32
      %eq3A_286 = arith.constant 0 : i32
      %eq3A_287 = arith.cmpi eq, %jit3A_285, %eq3A_286 : i32
      %jit3A_288 = arith.constant 1 : i32
      %select_n3A_289 = arith.select %eq3A_287, %jit3A_288, %jit3A_285 : i32
      %rem3A_290 = arith.remsi %scan3A_190, %select_n3A_289 : i32
      %ne3A_291 = arith.constant 0 : i32
      %ne3A_292 = arith.cmpi ne, %rem3A_290, %ne3A_291 : i32
      %lt3A_293 = arith.constant 0 : i32
      %lt3A_294 = arith.cmpi slt, %rem3A_290, %lt3A_293 : i32
      %lt3A_295 = arith.constant 0 : i32
      %lt3A_296 = arith.cmpi slt, %select_n3A_289, %lt3A_295 : i32
      %ne3A_297 = arith.xori %lt3A_294, %lt3A_296 : i1
      %and3A_298 = arith.andi %ne3A_297, %ne3A_292 : i1
      %add3A_299 = arith.addi %rem3A_290, %select_n3A_289 : i32
      %select_n3A_300 = arith.select %and3A_298, %add3A_299, %rem3A_290 : i32
      %jit3A_301 = arith.constant 4 : i32
      %div3A_302 = arith.divsi %scan3A_190, %jit3A_301 : i32
      %sign3A_303 = arith.constant 0 : i32
      %sign3A_304 = arith.cmpi sgt, %scan3A_190, %sign3A_303 : i32
      %sign3A_305 = arith.extui %sign3A_304 : i1 to i32
      %sign3A_306 = arith.constant 0 : i32
      %sign3A_307 = arith.cmpi slt, %scan3A_190, %sign3A_306 : i32
      %sign3A_308 = arith.extui %sign3A_307 : i1 to i32
      %sign3A_309 = arith.subi %sign3A_305, %sign3A_308 : i32
      %sign3A_310 = arith.constant 0 : i32
      %sign3A_311 = arith.cmpi sgt, %jit3A_301, %sign3A_310 : i32
      %sign3A_312 = arith.extui %sign3A_311 : i1 to i32
      %sign3A_313 = arith.constant 0 : i32
      %sign3A_314 = arith.cmpi slt, %jit3A_301, %sign3A_313 : i32
      %sign3A_315 = arith.extui %sign3A_314 : i1 to i32
      %sign3A_316 = arith.subi %sign3A_312, %sign3A_315 : i32
      %ne3A_317 = arith.cmpi ne, %sign3A_309, %sign3A_316 : i32
      %rem3A_318 = arith.remsi %scan3A_190, %jit3A_301 : i32
      %ne3A_319 = arith.constant 0 : i32
      %ne3A_320 = arith.cmpi ne, %rem3A_318, %ne3A_319 : i32
      %and3A_321 = arith.andi %ne3A_317, %ne3A_320 : i1
      %sub3A_322 = arith.constant 1 : i32
      %sub3A_323 = arith.subi %div3A_302, %sub3A_322 : i32
      %select_n3A_324 = arith.select %and3A_321, %sub3A_323, %div3A_302 : i32
      %mul3A_325 = arith.constant 4 : i32
      %mul3A_326 = arith.muli %add3A, %mul3A_325 : i32
      %jit3A_327 = arith.constant 4 : i32
      %eq3A_328 = arith.constant 0 : i32
      %eq3A_329 = arith.cmpi eq, %jit3A_327, %eq3A_328 : i32
      %jit3A_330 = arith.constant 1 : i32
      %select_n3A_331 = arith.select %eq3A_329, %jit3A_330, %jit3A_327 : i32
      %rem3A_332 = arith.remsi %scan3A_190, %select_n3A_331 : i32
      %ne3A_333 = arith.constant 0 : i32
      %ne3A_334 = arith.cmpi ne, %rem3A_332, %ne3A_333 : i32
      %lt3A_335 = arith.constant 0 : i32
      %lt3A_336 = arith.cmpi slt, %rem3A_332, %lt3A_335 : i32
      %lt3A_337 = arith.constant 0 : i32
      %lt3A_338 = arith.cmpi slt, %select_n3A_331, %lt3A_337 : i32
      %ne3A_339 = arith.xori %lt3A_336, %lt3A_338 : i1
      %and3A_340 = arith.andi %ne3A_339, %ne3A_334 : i1
      %add3A_341 = arith.addi %rem3A_332, %select_n3A_331 : i32
      %select_n3A_342 = arith.select %and3A_340, %add3A_341, %rem3A_332 : i32
      %add3A_343 = arith.addi %mul3A_326, %select_n3A_342 : i32
      %dma_start3A_344 = arith.constant 0 : i32
      %dma_start3A_345 = arith.constant 0 : i32
      %dma_start3A_346 = arith.constant 0 : i32
      %dma_start3A_347 = tpu.memref_slice %arg7[%select_n3A_300, %dma_start3A_344, %dma_start3A_345, %dma_start3A_346] : memref<3x8x8x133xf32, #tpu.memory_space<vmem>> -> memref<1x8x8x128xf32, #tpu.memory_space<vmem>>
      %dma_start3A_348 = tpu.memref_squeeze %dma_start3A_347 : memref<1x8x8x128xf32, #tpu.memory_space<vmem>> -> memref<8x8x128xf32, #tpu.memory_space<vmem>>
      %dma_start3A_349 = arith.constant 0 : i32
      %dma_start3A_350 = arith.constant 0 : i32
      %dma_start3A_351 = arith.constant 0 : i32
      %dma_start3A_352 = tpu.memref_slice %arg4[%select_n3A_324, %dma_start3A_349, %add3A_343, %dma_start3A_350, %dma_start3A_351] : memref<50x8x128x8x128xf32, #tpu.memory_space<hbm>> -> memref<1x8x1x8x128xf32, #tpu.memory_space<hbm>>
      %dma_start3A_353 = tpu.memref_squeeze %dma_start3A_352 : memref<1x8x1x8x128xf32, #tpu.memory_space<hbm>> -> memref<8x8x128xf32, #tpu.memory_space<hbm>>
      %dma_start3A_354 = arith.constant 0 : i32
      %dma_start3A_355 = arith.constant 0 : i32
      %dma_start3A_356 = arith.constant 0 : i32
      %dma_start3A_357 = tpu.memref_slice %arg4[%select_n3A_324, %dma_start3A_354, %add3A_343, %dma_start3A_355, %dma_start3A_356] : memref<50x8x128x8x128xf32, #tpu.memory_space<hbm>> -> memref<1x8x1x8x128xf32, #tpu.memory_space<hbm>>
      %dma_start3A_358 = tpu.memref_squeeze %dma_start3A_357 : memref<1x8x1x8x128xf32, #tpu.memory_space<hbm>> -> memref<8x8x128xf32, #tpu.memory_space<hbm>>
      %dma_start3A_359 = arith.constant 0 : i32
      %dma_start3A_360 = arith.constant 0 : i32
      %dma_start3A_361 = arith.constant 0 : i32
      %dma_start3A_362 = tpu.memref_slice %arg7[%select_n3A_300, %dma_start3A_359, %dma_start3A_360, %dma_start3A_361] : memref<3x8x8x133xf32, #tpu.memory_space<vmem>> -> memref<1x8x8x128xf32, #tpu.memory_space<vmem>>
      %dma_start3A_363 = tpu.memref_squeeze %dma_start3A_362 : memref<1x8x8x128xf32, #tpu.memory_space<vmem>> -> memref<8x8x128xf32, #tpu.memory_space<vmem>>
      tpu.enqueue_dma source(%dma_start3A_363 : memref<8x8x128xf32, #tpu.memory_space<vmem>>) target(%dma_start3A_358 : memref<8x8x128xf32, #tpu.memory_space<hbm>>) target_semaphore(%arg9 : memref<!tpu.dma_semaphore, #tpu.memory_space<semaphore_mem>>)
      %add3A_364 = arith.constant 6 : i32
      %add3A_365 = arith.addi %scan3A_190, %add3A_364 : i32
      %sub3A_366 = arith.constant 1 : i32
      %sub3A_367 = arith.subi %add3A_365, %sub3A_366 : i32
      %lt3A_368 = arith.constant 200 : i32
      %lt3A_369 = arith.cmpi slt, %sub3A_367, %lt3A_368 : i32
      %convert_element_type3A_370 = arith.extui %lt3A_369 : i1 to i32
      %cond3A_371 = arith.constant 0 : i32
      %cond3A_372 = arith.cmpi ne, %convert_element_type3A_370, %cond3A_371 : i32
      scf.if %cond3A_372 {
        %add3A_373 = arith.constant 6 : i32
        %add3A_374 = arith.addi %scan3A_190, %add3A_373 : i32
        %sub3A_375 = arith.constant 1 : i32
        %sub3A_376 = arith.subi %add3A_374, %sub3A_375 : i32
        %add3A_377 = arith.constant 6 : i32
        %add3A_378 = arith.addi %scan3A_190, %add3A_377 : i32
        %sub3A_379 = arith.constant 1 : i32
        %sub3A_380 = arith.subi %add3A_378, %sub3A_379 : i32
        %jit3A_381 = arith.constant 6 : i32
        %eq3A_382 = arith.constant 0 : i32
        %eq3A_383 = arith.cmpi eq, %jit3A_381, %eq3A_382 : i32
        %jit3A_384 = arith.constant 1 : i32
        %select_n3A_385 = arith.select %eq3A_383, %jit3A_384, %jit3A_381 : i32
        %rem3A_386 = arith.remsi %sub3A_380, %select_n3A_385 : i32
        %ne3A_387 = arith.constant 0 : i32
        %ne3A_388 = arith.cmpi ne, %rem3A_386, %ne3A_387 : i32
        %lt3A_389 = arith.constant 0 : i32
        %lt3A_390 = arith.cmpi slt, %rem3A_386, %lt3A_389 : i32
        %lt3A_391 = arith.constant 0 : i32
        %lt3A_392 = arith.cmpi slt, %select_n3A_385, %lt3A_391 : i32
        %ne3A_393 = arith.xori %lt3A_390, %lt3A_392 : i1
        %and3A_394 = arith.andi %ne3A_393, %ne3A_388 : i1
        %add3A_395 = arith.addi %rem3A_386, %select_n3A_385 : i32
        %select_n3A_396 = arith.select %and3A_394, %add3A_395, %rem3A_386 : i32
        %jit3A_397 = arith.constant 4 : i32
        %div3A_398 = arith.divsi %sub3A_376, %jit3A_397 : i32
        %sign3A_399 = arith.constant 0 : i32
        %sign3A_400 = arith.cmpi sgt, %sub3A_376, %sign3A_399 : i32
        %sign3A_401 = arith.extui %sign3A_400 : i1 to i32
        %sign3A_402 = arith.constant 0 : i32
        %sign3A_403 = arith.cmpi slt, %sub3A_376, %sign3A_402 : i32
        %sign3A_404 = arith.extui %sign3A_403 : i1 to i32
        %sign3A_405 = arith.subi %sign3A_401, %sign3A_404 : i32
        %sign3A_406 = arith.constant 0 : i32
        %sign3A_407 = arith.cmpi sgt, %jit3A_397, %sign3A_406 : i32
        %sign3A_408 = arith.extui %sign3A_407 : i1 to i32
        %sign3A_409 = arith.constant 0 : i32
        %sign3A_410 = arith.cmpi slt, %jit3A_397, %sign3A_409 : i32
        %sign3A_411 = arith.extui %sign3A_410 : i1 to i32
        %sign3A_412 = arith.subi %sign3A_408, %sign3A_411 : i32
        %ne3A_413 = arith.cmpi ne, %sign3A_405, %sign3A_412 : i32
        %rem3A_414 = arith.remsi %sub3A_376, %jit3A_397 : i32
        %ne3A_415 = arith.constant 0 : i32
        %ne3A_416 = arith.cmpi ne, %rem3A_414, %ne3A_415 : i32
        %and3A_417 = arith.andi %ne3A_413, %ne3A_416 : i1
        %sub3A_418 = arith.constant 1 : i32
        %sub3A_419 = arith.subi %div3A_398, %sub3A_418 : i32
        %select_n3A_420 = arith.select %and3A_417, %sub3A_419, %div3A_398 : i32
        %jit3A_421 = arith.constant 4 : i32
        %eq3A_422 = arith.constant 0 : i32
        %eq3A_423 = arith.cmpi eq, %jit3A_421, %eq3A_422 : i32
        %jit3A_424 = arith.constant 1 : i32
        %select_n3A_425 = arith.select %eq3A_423, %jit3A_424, %jit3A_421 : i32
        %rem3A_426 = arith.remsi %sub3A_376, %select_n3A_425 : i32
        %ne3A_427 = arith.constant 0 : i32
        %ne3A_428 = arith.cmpi ne, %rem3A_426, %ne3A_427 : i32
        %lt3A_429 = arith.constant 0 : i32
        %lt3A_430 = arith.cmpi slt, %rem3A_426, %lt3A_429 : i32
        %lt3A_431 = arith.constant 0 : i32
        %lt3A_432 = arith.cmpi slt, %select_n3A_425, %lt3A_431 : i32
        %ne3A_433 = arith.xori %lt3A_430, %lt3A_432 : i1
        %and3A_434 = arith.andi %ne3A_433, %ne3A_428 : i1
        %add3A_435 = arith.addi %rem3A_426, %select_n3A_425 : i32
        %select_n3A_436 = arith.select %and3A_434, %add3A_435, %rem3A_426 : i32
        %mul3A_437 = arith.constant 128 : i32
        %mul3A_438 = arith.muli %select_n3A_436, %mul3A_437 : i32
        %dma_start3A_439 = arith.constant 0 : i32
        %dma_start3A_440 = arith.constant 0 : i32
        %dma_start3A_441 = tpu.memref_slice %arg6[%select_n3A_396, %dma_start3A_439, %dma_start3A_440] : memref<6x128x64xf32, #tpu.memory_space<vmem>> -> memref<1x128x64xf32, #tpu.memory_space<vmem>>
        %dma_start3A_442 = tpu.memref_squeeze %dma_start3A_441 : memref<1x128x64xf32, #tpu.memory_space<vmem>> -> memref<128x64xf32, #tpu.memory_space<vmem>>
        %dma_start3A_443 = tpu.memref_slice %arg5[%select_n3A_420, %mul3A_438] : memref<50x512xi32, #tpu.memory_space<vmem>> -> memref<1x128xi32, #tpu.memory_space<vmem>>
        %dma_start3A_444 = tpu.memref_squeeze %dma_start3A_443 : memref<1x128xi32, #tpu.memory_space<vmem>> -> memref<128xi32, #tpu.memory_space<vmem>>
        %dma_start3A_445 = arith.constant 0 : i32
        %dma_start3A_446 = arith.constant 0 : i32
        %dma_start3A_447 = tpu.memref_slice %arg2[%dma_start3A_445, %dma_start3A_446] : memref<1000000x64xf32, #tpu.memory_space<hbm>> -> memref<1000000x64xf32, #tpu.memory_space<hbm>>
        tpu.enqueue_indirect_dma source(%dma_start3A_447 : memref<1000000x64xf32, #tpu.memory_space<hbm>>) target(%dma_start3A_442 : memref<128x64xf32, #tpu.memory_space<vmem>>) offsets(%dma_start3A_444 : memref<128xi32, #tpu.memory_space<vmem>>) semaphore(%arg8 : memref<!tpu.dma_semaphore, #tpu.memory_space<semaphore_mem>>)
      } else {
      }
    }
    %scan3A_112 = arith.constant 200 : i32
    %mul3A_113 = arith.constant 4 : i32
    %mul3A_114 = arith.muli %add3A, %mul3A_113 : i32
    %add3A_115 = arith.constant 1 : i32
    %add3A_116 = arith.addi %mul3A_114, %add3A_115 : i32
    %dma_wait3A = arith.constant 2 : i32
    %dma_wait3A_117 = arith.constant 49 : i32
    %dma_wait3A_118 = arith.constant 0 : i32
    %dma_wait3A_119 = arith.constant 0 : i32
    %dma_wait3A_120 = arith.constant 0 : i32
    %dma_wait3A_121 = tpu.memref_slice %arg7[%dma_wait3A, %dma_wait3A_118, %dma_wait3A_119, %dma_wait3A_120] : memref<3x8x8x133xf32, #tpu.memory_space<vmem>> -> memref<1x8x8x128xf32, #tpu.memory_space<vmem>>
    %dma_wait3A_122 = tpu.memref_squeeze %dma_wait3A_121 : memref<1x8x8x128xf32, #tpu.memory_space<vmem>> -> memref<8x8x128xf32, #tpu.memory_space<vmem>>
    %dma_wait3A_123 = arith.constant 0 : i32
    %dma_wait3A_124 = arith.constant 0 : i32
    %dma_wait3A_125 = arith.constant 0 : i32
    %dma_wait3A_126 = tpu.memref_slice %arg4[%dma_wait3A_117, %dma_wait3A_123, %add3A_116, %dma_wait3A_124, %dma_wait3A_125] : memref<50x8x128x8x128xf32, #tpu.memory_space<hbm>> -> memref<1x8x1x8x128xf32, #tpu.memory_space<hbm>>
    %dma_wait3A_127 = tpu.memref_squeeze %dma_wait3A_126 : memref<1x8x1x8x128xf32, #tpu.memory_space<hbm>> -> memref<8x8x128xf32, #tpu.memory_space<hbm>>
    %dma_wait3A_128 = arith.constant 0 : i32
    %dma_wait3A_129 = arith.constant 0 : i32
    %dma_wait3A_130 = arith.constant 0 : i32
    %dma_wait3A_131 = tpu.memref_slice %arg4[%dma_wait3A_117, %dma_wait3A_128, %add3A_116, %dma_wait3A_129, %dma_wait3A_130] : memref<50x8x128x8x128xf32, #tpu.memory_space<hbm>> -> memref<1x8x1x8x128xf32, #tpu.memory_space<hbm>>
    %dma_wait3A_132 = tpu.memref_squeeze %dma_wait3A_131 : memref<1x8x1x8x128xf32, #tpu.memory_space<hbm>> -> memref<8x8x128xf32, #tpu.memory_space<hbm>>
    %dma_wait3A_133 = arith.constant 0 : i32
    %dma_wait3A_134 = arith.constant 0 : i32
    %dma_wait3A_135 = arith.constant 0 : i32
    %dma_wait3A_136 = tpu.memref_slice %arg7[%dma_wait3A, %dma_wait3A_133, %dma_wait3A_134, %dma_wait3A_135] : memref<3x8x8x133xf32, #tpu.memory_space<vmem>> -> memref<1x8x8x128xf32, #tpu.memory_space<vmem>>
    %dma_wait3A_137 = tpu.memref_squeeze %dma_wait3A_136 : memref<1x8x8x128xf32, #tpu.memory_space<vmem>> -> memref<8x8x128xf32, #tpu.memory_space<vmem>>
    tpu.wait_dma2 semaphore(%arg9 : memref<!tpu.dma_semaphore, #tpu.memory_space<semaphore_mem>>) src(%dma_wait3A_137 : memref<8x8x128xf32, #tpu.memory_space<vmem>>) dst(%dma_wait3A_132 : memref<8x8x128xf32, #tpu.memory_space<hbm>>)
    %mul3A_138 = arith.constant 4 : i32
    %mul3A_139 = arith.muli %add3A, %mul3A_138 : i32
    %add3A_140 = arith.constant 2 : i32
    %add3A_141 = arith.addi %mul3A_139, %add3A_140 : i32
    %dma_wait3A_142 = arith.constant 0 : i32
    %dma_wait3A_143 = arith.constant 49 : i32
    %dma_wait3A_144 = arith.constant 0 : i32
    %dma_wait3A_145 = arith.constant 0 : i32
    %dma_wait3A_146 = arith.constant 0 : i32
    %dma_wait3A_147 = tpu.memref_slice %arg7[%dma_wait3A_142, %dma_wait3A_144, %dma_wait3A_145, %dma_wait3A_146] : memref<3x8x8x133xf32, #tpu.memory_space<vmem>> -> memref<1x8x8x128xf32, #tpu.memory_space<vmem>>
    %dma_wait3A_148 = tpu.memref_squeeze %dma_wait3A_147 : memref<1x8x8x128xf32, #tpu.memory_space<vmem>> -> memref<8x8x128xf32, #tpu.memory_space<vmem>>
    %dma_wait3A_149 = arith.constant 0 : i32
    %dma_wait3A_150 = arith.constant 0 : i32
    %dma_wait3A_151 = arith.constant 0 : i32
    %dma_wait3A_152 = tpu.memref_slice %arg4[%dma_wait3A_143, %dma_wait3A_149, %add3A_141, %dma_wait3A_150, %dma_wait3A_151] : memref<50x8x128x8x128xf32, #tpu.memory_space<hbm>> -> memref<1x8x1x8x128xf32, #tpu.memory_space<hbm>>
    %dma_wait3A_153 = tpu.memref_squeeze %dma_wait3A_152 : memref<1x8x1x8x128xf32, #tpu.memory_space<hbm>> -> memref<8x8x128xf32, #tpu.memory_space<hbm>>
    %dma_wait3A_154 = arith.constant 0 : i32
    %dma_wait3A_155 = arith.constant 0 : i32
    %dma_wait3A_156 = arith.constant 0 : i32
    %dma_wait3A_157 = tpu.memref_slice %arg4[%dma_wait3A_143, %dma_wait3A_154, %add3A_141, %dma_wait3A_155, %dma_wait3A_156] : memref<50x8x128x8x128xf32, #tpu.memory_space<hbm>> -> memref<1x8x1x8x128xf32, #tpu.memory_space<hbm>>
    %dma_wait3A_158 = tpu.memref_squeeze %dma_wait3A_157 : memref<1x8x1x8x128xf32, #tpu.memory_space<hbm>> -> memref<8x8x128xf32, #tpu.memory_space<hbm>>
    %dma_wait3A_159 = arith.constant 0 : i32
    %dma_wait3A_160 = arith.constant 0 : i32
    %dma_wait3A_161 = arith.constant 0 : i32
    %dma_wait3A_162 = tpu.memref_slice %arg7[%dma_wait3A_142, %dma_wait3A_159, %dma_wait3A_160, %dma_wait3A_161] : memref<3x8x8x133xf32, #tpu.memory_space<vmem>> -> memref<1x8x8x128xf32, #tpu.memory_space<vmem>>
    %dma_wait3A_163 = tpu.memref_squeeze %dma_wait3A_162 : memref<1x8x8x128xf32, #tpu.memory_space<vmem>> -> memref<8x8x128xf32, #tpu.memory_space<vmem>>
    tpu.wait_dma2 semaphore(%arg9 : memref<!tpu.dma_semaphore, #tpu.memory_space<semaphore_mem>>) src(%dma_wait3A_163 : memref<8x8x128xf32, #tpu.memory_space<vmem>>) dst(%dma_wait3A_158 : memref<8x8x128xf32, #tpu.memory_space<hbm>>)
    %mul3A_164 = arith.constant 4 : i32
    %mul3A_165 = arith.muli %add3A, %mul3A_164 : i32
    %add3A_166 = arith.constant 3 : i32
    %add3A_167 = arith.addi %mul3A_165, %add3A_166 : i32
    %dma_wait3A_168 = arith.constant 1 : i32
    %dma_wait3A_169 = arith.constant 49 : i32
    %dma_wait3A_170 = arith.constant 0 : i32
    %dma_wait3A_171 = arith.constant 0 : i32
    %dma_wait3A_172 = arith.constant 0 : i32
    %dma_wait3A_173 = tpu.memref_slice %arg7[%dma_wait3A_168, %dma_wait3A_170, %dma_wait3A_171, %dma_wait3A_172] : memref<3x8x8x133xf32, #tpu.memory_space<vmem>> -> memref<1x8x8x128xf32, #tpu.memory_space<vmem>>
    %dma_wait3A_174 = tpu.memref_squeeze %dma_wait3A_173 : memref<1x8x8x128xf32, #tpu.memory_space<vmem>> -> memref<8x8x128xf32, #tpu.memory_space<vmem>>
    %dma_wait3A_175 = arith.constant 0 : i32
    %dma_wait3A_176 = arith.constant 0 : i32
    %dma_wait3A_177 = arith.constant 0 : i32
    %dma_wait3A_178 = tpu.memref_slice %arg4[%dma_wait3A_169, %dma_wait3A_175, %add3A_167, %dma_wait3A_176, %dma_wait3A_177] : memref<50x8x128x8x128xf32, #tpu.memory_space<hbm>> -> memref<1x8x1x8x128xf32, #tpu.memory_space<hbm>>
    %dma_wait3A_179 = tpu.memref_squeeze %dma_wait3A_178 : memref<1x8x1x8x128xf32, #tpu.memory_space<hbm>> -> memref<8x8x128xf32, #tpu.memory_space<hbm>>
    %dma_wait3A_180 = arith.constant 0 : i32
    %dma_wait3A_181 = arith.constant 0 : i32
    %dma_wait3A_182 = arith.constant 0 : i32
    %dma_wait3A_183 = tpu.memref_slice %arg4[%dma_wait3A_169, %dma_wait3A_180, %add3A_167, %dma_wait3A_181, %dma_wait3A_182] : memref<50x8x128x8x128xf32, #tpu.memory_space<hbm>> -> memref<1x8x1x8x128xf32, #tpu.memory_space<hbm>>
    %dma_wait3A_184 = tpu.memref_squeeze %dma_wait3A_183 : memref<1x8x1x8x128xf32, #tpu.memory_space<hbm>> -> memref<8x8x128xf32, #tpu.memory_space<hbm>>
    %dma_wait3A_185 = arith.constant 0 : i32
    %dma_wait3A_186 = arith.constant 0 : i32
    %dma_wait3A_187 = arith.constant 0 : i32
    %dma_wait3A_188 = tpu.memref_slice %arg7[%dma_wait3A_168, %dma_wait3A_185, %dma_wait3A_186, %dma_wait3A_187] : memref<3x8x8x133xf32, #tpu.memory_space<vmem>> -> memref<1x8x8x128xf32, #tpu.memory_space<vmem>>
    %dma_wait3A_189 = tpu.memref_squeeze %dma_wait3A_188 : memref<1x8x8x128xf32, #tpu.memory_space<vmem>> -> memref<8x8x128xf32, #tpu.memory_space<vmem>>
    tpu.wait_dma2 semaphore(%arg9 : memref<!tpu.dma_semaphore, #tpu.memory_space<semaphore_mem>>) src(%dma_wait3A_189 : memref<8x8x128xf32, #tpu.memory_space<vmem>>) dst(%dma_wait3A_184 : memref<8x8x128xf32, #tpu.memory_space<hbm>>)
    return
  }
}

</mosaic_0001>

<sc_bundles>
// kernel: kernel.3.cloned.1.call-start
scs
__scs_entry_jumppad:
0x0: {  	(pc) =	sbr.rel $0x88, $3  }
0x1: {  	(tag) =	ssettag $0x0;
	lr =	simm.s32 $0x1  }
0x2: {  	[smem:$0x3F9F] =	sst lr;
	_ =	strace $0xD0000000  }
0x3: {  	_ = 	snop  }
0x4: {  	_ = 	snop  }
0x5: {  	_ = 	snop  }
0x6: {  	_ = 	snop  }
0x7: {  	_ = 	snop  }
__scs_overlays_trampoline_lowered:
0x8: {  	[smem:$0x3FAE] =	sst s0  }
0x9: {  	[smem:$0x3FAF] =	sst s1  }
0xa: {  	[smem:$0x3FB0] =	sst s2  }
0xb: {  	[smem:$0x3FB1] =	sst s3  }
0xc: {  	[smem:$0x3FB2] =	sst s4  }
0xd: {  	[smem:$0x3FB3] =	sst s5  }
0xe: {  	[smem:$0x3FB4] =	sst s6  }
0xf: {  	[smem:$0x3FB5] =	sst s7  }
0x10: {  	[smem:$0x3FB6] =	sst s8  }
0x11: {  	[smem:$0x3FB7] =	sst s9;
	s0 =	simm.s32 @!p0 $0x0  }
0x12: {  	s1 =	sld [smem:$0x3F9D];
	s0 =	simm.s32 @p0 $0x1  }
0x13: {  	[smem:$0x3FB8] =	sst s0;
	s0 =	simm.s32 @!p1 $0x0  }
0x14: {  	s2 =	sld [smem:$0x3F9C];
	s0 =	simm.s32 @p1 $0x1  }
0x15: {  	[smem:$0x3FB9] =	sst s0;
	s0 =	simm.s32 @!p2 $0x0  }
0x16: {  	s3 =	sld [smem:$0x3FDB];
	s0 =	simm.s32 @p2 $0x1  }
0x17: {  	s4 =	simm.s32 $0x1BF5;
	[smem:$0x3FBB] =	sst s0  }
0x18: {  	s0 =	sld [smem:$0x3F9E];
	_ =	swait.ge [sflag:s4], $0x0  }
0x19: {  	s7 =	sld [smem:$0x3F9F]  }
0x1a: {  	s8 =	sadd.s32 $0xFFFFE003, lr  }
0x1b: {  	s9 =	sadd.s32 $0xFFFFFEF7, lr;
	s5 =	simm.s32 $0xFFFFFFFF;
	p2 =	slt.u32 s8, $0xFFFFF086  }
0x1c: {  	p1 =	slt.u32 s9, $0xF7A;
	s5 =	simm.s32 @!p2 $0x0  }
0x1d: {  	s5 =	simm.s32 @p1 $0x1;
	p0 =	seq.s32 s7, s2  }
0x1e: {  	s7 =	smul.u32 @!p0 $0xF7A, s2;
	p2 =	seq.s32 @!p0 s5, $0x0  }
0x1f: {  	s9 =	smul.u32 $0xF7A, s1;
	s8 =	simm.s32 @!p0 $0x1BF5;
	p2 =	por !p2, p0  }
0x20: {  	[sflag:s8] =	ssyncset.s32 @!p0 $0xFFFFF086;
	s6 =	sadd.s32 @!p0 s3, s7;
	s7 =	simm.s32 @!p0 $0x108  }
0x21: {  	s3 =	sadd.s32 s3, s9;
	s6 =	sadd.s32 @!p0 $0x88, s6;
	s7 =	simm.s32 @p2 $0x1082  }
0x22: {  	[simem:s7], [sflag:s8] =	dma.local @!p0 [hbm:s6], $0xF7A  }
0x23: {  	s9 =	sor.u32 $0xD0000000, s2;
	s6 =	simm.s32 $0x108;
	_ =	swait.ge @!p0 [sflag:s8], $0x0  }
0x24: {  	s3 =	sadd.s32 $0x88, s3;
	s6 =	simm.s32 @!p1 $0x1082;
	[sflag:s4] =	ssyncset.s32 $0xFFFFF086  }
0x25: {  	[simem:s6], [sflag:s4] =	dma.local [hbm:s3], $0xF7A  }
0x26: {  	[smem:$0x3F9F] =	sst s1;
	(tag) =	ssettag s2;
	_ =	strace s9  }
0x27: {  	s1 =	sld [smem:$0x3FAF]  }
0x28: {  	s2 =	sld [smem:$0x3FB0]  }
0x29: {  	s4 =	sld [smem:$0x3FB2]  }
0x2a: {  	p0 =	seq.s32 s5, $0x0;
	s5 =	sld [smem:$0x3FB3]  }
0x2b: {  	s6 =	sld [smem:$0x3FB4]  }
0x2c: {  	s7 =	sld [smem:$0x3FB5]  }
0x2d: {  	s3 =	simm.s32 $0x108;
	s8 =	sld [smem:$0x3FB6]  }
0x2e: {  	s3 =	simm.s32 @!p0 $0x1082;
	s9 =	sld [smem:$0x3FB7]  }
0x2f: {  	lr =	sadd.s32 s0, s3;
	s0 =	sld [smem:$0x3FAE]  }
0x30: {  	s3 =	sld [smem:$0x3FB1]  }
0x31: {  	[smem:$0x3FBA] =	sst s10  }
0x32: {  	s10 =	sld [smem:$0x3FB8];
	_ =	sdelay $0x3  }
0x33: {  	p0 =	seq.s32 s10, $0x1;
	s10 =	sld [smem:$0x3FBA];
	_ =	sdelay $0x3  }
0x34: {  	[smem:$0x3FBA] =	sst s10  }
0x35: {  	s10 =	sld [smem:$0x3FB9];
	_ =	sdelay $0x3  }
0x36: {  	p1 =	seq.s32 s10, $0x1;
	s10 =	sld [smem:$0x3FBA];
	_ =	sdelay $0x3  }
0x37: {  	[smem:$0x3FBA] =	sst s10  }
0x38: {  	s10 =	sld [smem:$0x3FBB]  }
0x39: {  	_ = 	snop;
	(pc) =	sbr.ind lr, $3  }
0x3a: {  	_ = 	snop  }
0x3b: {  	_ = 	snop  }
0x3c: {  	p2 =	seq.s32 s10, $0x1;
	s10 =	sld [smem:$0x3FBA]  }
0x3d: {  	_ =	shalt  }
0x3e: {  	_ =	shalt  }
0x3f: {  	_ =	shalt  }
0x40: {  	_ =	shalt  }
0x41: {  	_ =	shalt  }
0x42: {  	_ =	shalt  }
0x43: {  	_ =	shalt  }
0x44: {  	_ =	shalt  }
0x45: {  	_ =	shalt  }
0x46: {  	_ =	shalt  }
0x47: {  	_ =	shalt  }
0x48: {  	_ =	shalt  }
0x49: {  	_ =	shalt  }
0x4a: {  	_ =	shalt  }
0x4b: {  	_ =	shalt  }
0x4c: {  	_ =	shalt  }
0x4d: {  	_ =	shalt  }
0x4e: {  	_ =	shalt  }
0x4f: {  	_ =	shalt  }
0x50: {  	_ =	shalt  }
0x51: {  	_ =	shalt  }
0x52: {  	_ =	shalt  }
0x53: {  	_ =	shalt  }
0x54: {  	_ =	shalt  }
0x55: {  	_ =	shalt  }
0x56: {  	_ =	shalt  }
0x57: {  	_ =	shalt  }
0x58: {  	_ =	shalt  }
0x59: {  	_ =	shalt  }
0x5a: {  	_ =	shalt  }
0x5b: {  	_ =	shalt  }
0x5c: {  	_ =	shalt  }
0x5d: {  	_ =	shalt  }
0x5e: {  	_ =	shalt  }
0x5f: {  	_ =	shalt  }
0x60: {  	_ =	shalt  }
0x61: {  	_ =	shalt  }
0x62: {  	_ =	shalt  }
0x63: {  	_ =	shalt  }
0x64: {  	_ =	shalt  }
0x65: {  	_ =	shalt  }
0x66: {  	_ =	shalt  }
0x67: {  	_ =	shalt  }
0x68: {  	_ =	shalt  }
0x69: {  	_ =	shalt  }
0x6a: {  	_ =	shalt  }
0x6b: {  	_ =	shalt  }
0x6c: {  	_ =	shalt  }
0x6d: {  	_ =	shalt  }
0x6e: {  	_ =	shalt  }
0x6f: {  	_ =	shalt  }
0x70: {  	_ =	shalt  }
0x71: {  	_ =	shalt  }
0x72: {  	_ =	shalt  }
0x73: {  	_ =	shalt  }
0x74: {  	_ =	shalt  }
0x75: {  	_ =	shalt  }
0x76: {  	_ =	shalt  }
0x77: {  	_ =	shalt  }
0x78: {  	_ =	shalt  }
0x79: {  	_ =	shalt  }
0x7a: {  	_ =	shalt  }
0x7b: {  	_ =	shalt  }
0x7c: {  	_ =	shalt  }
0x7d: {  	_ =	shalt  }
0x7e: {  	_ =	shalt  }
0x7f: {  	_ =	shalt  }
0x80: {  	_ =	shalt  }
0x81: {  	_ =	shalt  }
0x82: {  	_ =	shalt  }
0x83: {  	_ =	shalt  }
0x84: {  	_ =	shalt  }
0x85: {  	_ =	shalt  }
0x86: {  	_ =	shalt  }
0x87: {  	_ =	shalt  }
.Lfunc_end0:
.L_simem_size_0:
called_computation_lowered:
.L_overlay_start_0:
0x88: {  	s2 =	sld [smem:$0x3FD9]  }
0x89: {  	s3 =	sld [smem:$0x3FFE];
	_ =	sdelay $0x1  }
0x8a: {  	s1 =	srdreg.scid  }
0x8b: {  	s0 =	sand.u32 $0x1, s1  }
0x8c: {  	s17 =	sshll.u32 s0, $0xA;
	s2 =	sadd.s32 s3, s2  }
0x8d: {  	s2 =	sadd.s32 s2, s17  }
0x8e: {  	[smem:$0x3FC6] =	sst s2  }
0x8f: {  	_ = 	snop  }
0x90: {  	s2 =	sld [smem:$0x3FD0];
	(tm) =	ssettm $0x1  }
0x91: {  	s18 =	sld [smem:$0x3FFB];
	_ =	sdelay $0x3  }
0x92: {  	_ =	strace s18  }
0x93: {  	s3 =	sld [smem:$0x3FFC];
	_ =	sdelay $0x3  }
0x94: {  	_ =	strace s3  }
0x95: {  	s3 =	sld [smem:$0x3FFD];
	_ =	sdelay $0x3  }
0x96: {  	_ =	strace s3  }
0x97: {  	_ =	strace $0x8FFFFFFF  }
0x98: {  	s19 =	sld [smem:$0x3FDB];
	_ =	sdelay $0x1  }
0x99: {  	s4 =	simm.s32 $_scs_section_size  }
0x9a: {  	s5 =	simm.s32 $_size__tile_overlayer_lowered;
	s6 =	simm.s32 $_tile_overlayer_lowered  }
0x9b: {  	s22 =	simm.s32 $0x1BFF;
	s21 =	sshll.u32 s6, $0x1;
	s3 =	sadd.s32 s4, s19  }
0x9c: {  	s7 =	simm.s32 $0x0;
	s20 =	sshll.u32 s5, $0x1;
	s5 =	sadd.s32 s21, s3  }
0x9d: {  	[timem:s7], [sflag:s22] =	dma.local [hbm:s5], s20  }
0x9e: {  	_ =	swait.ge [sflag:s22], s20  }
0x9f: {  	s4 =	ssub.s32 $0x0, s20;
	[sflag:s22] =	ssyncset.done $0x0  }
0xa0: {  	[sflag:s22] =	ssyncadd.s32 s4;
	_ =	sdelay $0x1  }
0xa1: {  	s23 =	simm.s32 $0x1B8B  }
0xa2: {  	_ =	swait.ge [sflag:s23], $0x1  }
0xa3: {  	[sflag:s23] =	ssyncset.done $0x0  }
0xa4: {  	s25 =	simm.s32 $0x1B8E;
	s24 =	sld [smem:$0x3FFE];
	[sflag:s23] =	ssyncadd.s32 $0xFFFFFFFF  }
0xa5: {  	s26 =	simm.s32 $execute0_lowered;
	[smem:$0x3FD2] =	sst s25  }
0xa6: {  	s5 =	sshll.u32 s26, $0x1;
	_ =	strace $0x80000046;
	[dreg:$0x1] =	wrdreg $0xFFFFFFFF  }
0xa7: {  	s28 =	simm.s32 $_size_execute0_lowered;
	s3 =	sadd.s32 s3, s5;
	[dreg:$0x0] =	wrdreg $0x0  }
0xa8: {  	s5 =	sshll.u32 s28, $0x1;
	[dreg:$0x2] =	wrdreg s3  }
0xa9: {  	[dreg:$0x3] =	wrdreg s5  }
0xaa: {  	[dreg:$0x4] =	wrdreg $0xC0  }
0xab: {  	_ =	task [dreg:s7], $0x5FFFF  }
0xac: {  	[dreg:$0x1] =	wrdreg $0xFFFFFFFF  }
0xad: {  	[dreg:$0x0] =	wrdreg $0x60  }
0xae: {  	[dreg:$0x2] =	wrdreg s24  }
0xaf: {  	[dreg:$0x3] =	wrdreg s2  }
0xb0: {  	[dreg:$0x4] =	wrdreg $0x9  }
0xb1: {  	_ =	task.clear_ibuf [dreg:s7], $0x5FFFF;
	_ =	strace $0x90000046  }
0xb2: {  	s29 =	simm.s32 $0x9;
	_ =	strace $0x80000048  }
0xb3: {  	_ =	swait.ge [sflag:s29], $0x1  }
0xb4: {  	[sflag:s29] =	ssyncadd.s32 $0xFFFFFFFF  }
0xb5: {  	_ =	strace $0x90000048  }
0xb6: {  	_ =	sfence  }
0xb7: {  	s30 =	sld [smem:$0x0];
	_ =	sdelay $0x2  }
0xb8: {  	s31 =	sshll.u32 s1, $0xD;
	s1 =	sshrl.u32 s1, $0x2  }
0xb9: {  	s3 =	sand.u32 $0x4000, s31;
	s1 =	sadd.s32 s1, s30  }
0xba: {  	s0 =	sor.u32 s3, s0;
	s1 =	sshll.u32 s1, $0x11  }
0xbb: {  	s0 =	sor.u32 s1, s0  }
0xbc: {  	s0 =	sadd.s32 $0x8F2B, s0  }
0xbd: {  	[sflag:s0] =	ssyncadd.remote.s32 $0x1  }
0xbe: {  	_ =	sfence.sel $0xFFFF  }
0xbf: {  	[dreg:$0x0] =	wrdreg $0xFFFFFFFF;
	(pc) =	sbr.abs _section_cstart, $3  }
0xc0: {  	[dreg:$0x1] =	wrdreg $0xFFFFFFFF  }
0xc1: {  	_ =	task.clear_ibuf [dreg:s7], $0x2FFFF;
	_ =	strace $0x9FFFFFFF  }
0xc2: {  	(tm) =	ssettm $0x7FFFFFFF  }
0xc3: {  	_ =	shalt  }
tec
execute0_lowered:
.L_overlay_start_1:
0x0: {  	(tag) =	ssettag $0x1  }
0x1: {  	v0 =	vlaneseq.u32  }
0x2: {  	s4 =	rddreg [dreg:$0x0];
	v0 =	vmul.u32 $0x88, v0  }
0x3: {  	s5 =	rddreg [dreg:$0x1];
	v1 =	vimm.s32 $0x0;
	vm0 =	vcmask $0x300  }
0x4: {  	s0 =	rddreg [dreg:$0x2];
	s2 =	simm.s32 $0x0;
	s3 =	srdreg.scid;
	v1 =	vsel vm0, $0x3, v1;
	v2 =	vadd.s32 $0x880, v0  }
0x5: {  	s1 =	stileid.u32;
	s9 =	simm.s32 $0x3;
	s10 =	simm.s32 $0x80;
	v3 =	vadd.s32 $0x1100, v0;
	v4 =	vadd.s32 $0x1980, v0;
	v5 =	vor.u32 $0x1, v0  }
0x6: {  	s11 =	simm.s32 $0x6400;
	s12 =	simm.s32 $0x8400;
	s13 =	simm.s32 $0x100;
	v6 =	vadd.s32 $0x881, v0;
	v7 =	vadd.s32 $0x1101, v0;
	v8 =	vadd.s32 $0x1981, v0  }
0x7: {  	s14 =	simm.s32 $0xA400;
	s15 =	simm.s32 $0x180;
	s16 =	simm.s32 $0xC400;
	v9 =	vor.u32 $0x2, v0;
	v10 =	vadd.s32 $0x882, v0;
	v11 =	vadd.s32 $0x1102, v0  }
0x8: {  	s17 =	simm.s32 $0xE400;
	s18 =	simm.s32 $0x1;
	s19 =	simm.s32 $0x2;
	v12 =	vadd.s32 $0x1982, v0;
	v13 =	vor.u32 $0x3, v0;
	v14 =	vadd.s32 $0x883, v0  }
0x9: {  	s20 =	simm.s32 $0x0;
	s6 =	sand.u32 $0x1, s3;
	s30 =	sshll.u32 s1, $0x1;
	v15 =	vadd.s32 $0x1103, v0;
	v16 =	vadd.s32 $0x1983, v0;
	v17 =	vor.u32 $0x4, v0  }
0xa: {  	[smem:$0x7FF] =	sst s2;
	s3 =	sadd.s32 $0xF42A00, s4;
	s7 =	sor.u32 s6, s30;
	v18 =	vadd.s32 $0x884, v0;
	v19 =	vadd.s32 $0x1104, v0;
	v20 =	vadd.s32 $0x1984, v0  }
0xb: {  	_ =	strace $0x80000047;
	s6 =	ssub.s32 $0x2, s6;
	s8 =	sshll.u32 s7, $0x6;
	v21 =	vor.u32 $0x5, v0;
	v22 =	vadd.s32 $0x885, v0;
	v23 =	vadd.s32 $0x1105, v0  }
0xc: {  	s31 =	sshrl.u32 s6, $0x1;
	s7 =	sshll.u32 s7, $0x9;
	v24 =	vadd.s32 $0x1985, v0;
	v25 =	vor.u32 $0x6, v0;
	v26 =	vadd.s32 $0x886, v0;
	s4 =	sadd.s32 s8, s4  }
0xd: {  	v27 =	vadd.s32 $0x1106, v0;
	v28 =	vadd.s32 $0x1986, v0;
	v29 =	vor.u32 $0x7, v0;
	s6 =	ssub.s32 s6, s31;
	s5 =	sadd.s32 s5, s7;
	s7 =	simm.s32 $0x200  }
0xe: {  	v30 =	vadd.s32 $0x887, v0;
	v31 =	vadd.s32 $0x1107, v0;
	v32 =	vadd.s32 $0x1987, v0;
	s8 =	simm.s32 $0x4000;
	s4 =	sadd.s32 $0x600, s4;
	s6 =	smax.u32 s6, $0x1  }
.LBB2_1:
0xf: {  	[tilespmem:s2], [sflag:$0x3] =	stream.strided.gather [hbm4b:s4+s7], $0x6400, s8, s7, $0x38;
	[tilespmem:$0x18A00] =	vst v63  }
0x10: {  	_ =	swait.ge [sflag:s9], $0x6400  }
0x11: {  	[sflag:s9] =	ssyncset.done $0x0  }
0x12: {  	[sflag:s9] =	ssyncadd.s32 $0xFFFF9C00  }
0x13: {  	[tilespmem:s11], [sflag:$0x1] =	stream.indirect.gather [hbm4b:s3+s10], $0x40, s2, s10, $0xb8;
	[tilespmem:$0x18A00] =	vst v63  }
0x14: {  	_ = 	snop  }
0x15: {  	[tilespmem:s12], [sflag:$0x1] =	stream.indirect.gather [hbm4b:s3+s10], $0x40, s10, s10, $0xb8;
	[tilespmem:$0x18A00] =	vst v63  }
0x16: {  	_ = 	snop  }
0x17: {  	[tilespmem:s14], [sflag:$0x1] =	stream.indirect.gather [hbm4b:s3+s10], $0x40, s13, s10, $0xb8;
	[tilespmem:$0x18A00] =	vst v63  }
0x18: {  	_ = 	snop  }
0x19: {  	[tilespmem:s16], [sflag:$0x1] =	stream.indirect.gather [hbm4b:s3+s10], $0x40, s15, s10, $0xb8;
	[tilespmem:$0x18A00] =	vst v63  }
0x1a: {  	s21 =	simm.s32 $0x65F0;
	s22 =	simm.s32 $0x12400;
	s23 =	simm.s32 $0x0  }
0x1b: {  	[tilespmem:s17], [sflag:$0x1] =	stream.indirect.gather [hbm4b:s3+s10], $0x40, s7, s10, $0xb8;
	[tilespmem:$0x18A00] =	vst v63  }
.LBB2_2:
0x1c: {  	s25 =	smulhi.u32 $0xAAAAAAAB, s23;
	_ =	sdelay $0x1  }
0x1d: {  	s28 =	smul.u32 $0xAB, s23;
	s24 =	sshrl.u32 s25, $0x2  }
0x1e: {  	_ =	swait.ge [sflag:s18], $0x2000;
	s26 =	simm.s32 $0x0;
	s24 =	smul.u32 $0xFFFD0000, s24  }
0x1f: {  	s31 =	simm.s32 $0x2;
	s29 =	simm.s32 $0x3;
	p0 =	slt.u32 s23, $0x3;
	v34 =	vmov s26  }
0x20: {  	s26 =	simm.s32 $0x1;
	v36 =	vmov s31;
	v37 =	vmov s29;
	s31 =	simm.s32 $0x7;
	v34 =	vshrl.u32 v34, $0x3;
	s24 =	sshra.s32 s24, $0x2  }
0x21: {  	[sflag:s18] =	ssyncset.done $0x0;
	s29 =	simm.s32 @!p0 $0x2;
	v35 =	vmov s26;
	v39 =	vmov s31;
	v33 =	vmov s24  }
0x22: {  	s26 =	simm.s32 $0x4;
	[sflag:s18] =	ssyncadd.s32 $0xFFFFE000;
	s28 =	sshrl.u32 s28, $0x9;
	v36 =	vshrl.u32 v36, $0x3;
	v37 =	vshrl.u32 v37, $0x3;
	v34 =	vshll.u32 v34, v1  }
0x23: {  	v38 =	vmov s26;
	_ =	swait.ge @!p0 [sflag:s29], $0x2000;
	s26 =	sand.u32 $0x7F, s28;
	v35 =	vshrl.u32 v35, $0x3;
	v39 =	vshrl.u32 v39, $0x3  }
0x24: {  	s31 =	simm.s32 $0x5;
	v36 =	vshll.u32 v36, v1;
	v37 =	vshll.u32 v37, v1;
	[sflag:s29] =	ssyncset.done @!p0 $0x0;
	v39 =	vshll.u32 v39, v1;
	s24 =	smul.u32 $0x3, s26  }
0x25: {  	v40 =	vmov s31;
	v38 =	vshrl.u32 v38, $0x3;
	[sflag:s29] =	ssyncadd.s32 @!p0 $0xFFFFE000;
	v39 =	vbroadcast v39, $0x0  }
0x26: {  	v35 =	vshll.u32 v35, v1;
	v34 =	vbroadcast v34, $0x0;
	v62 =	vshrl.u32 v40, $0x3;
	s24 =	ssub.s32 s23, s24;
	v41 =	vld.idx.msk [tilespmem:v33+s21+$0xFFFFFFD0 ss:$0x1], $0xffff  }
0x27: {  	s31 =	simm.s32 $0x6;
	v53 =	vbroadcast v36, $0x0;
	v44 =	vbroadcast v35, $0x0;
	v43 =	vadd.s32 v29, v39;
	s24 =	sand.u32 $0xFF, s24;
	v42 =	vld.idx.msk [tilespmem:v33+s21+$0xFFFFFE10 ss:$0x1], $0xffff  }
0x28: {  	v56 =	vmov s31;
	v38 =	vshll.u32 v38, v1;
	v63 =	vadd.s32 v0, v34;
	s24 =	smul.u32 $0x8800, s24;
	v45 =	vld.idx.msk [tilespmem:v33+s21+$0xFFFFFE50 ss:$0x1], $0xffff  }
0x29: {  	v46 =	vshll.u32 v62, v1;
	v35 =	vbroadcast v37, $0x0;
	v47 =	vadd.s32 v5, v44;
	v48 =	vld.idx.msk [tilespmem:v33+s21+$0xFFFFFE90 ss:$0x1], $0xffff  }
0x2a: {  	v49 =	vadd.s32 v9, v53;
	v36 =	vbroadcast v38, $0x0;
	v38 =	vshrl.u32 v56, $0x3;
	v50 =	vld.idx.msk [tilespmem:v33+s21+$0xFFFFFED0 ss:$0x1], $0xffff;
	s24 =	sshrl.u32 s24, $0x2  }
0x2b: {  	v37 =	vbroadcast v46, $0x0;
	v51 =	vadd.s32 v13, v35;
	v38 =	vshll.u32 v38, v1;
	v52 =	vld.idx.msk [tilespmem:v33+s21+$0xFFFFFF10 ss:$0x1], $0xffff;
	s24 =	sadd.s32 $0x12400, s24  }
0x2c: {  	v57 =	vadd.s32 v17, v36;
	v38 =	vbroadcast v38, $0x0;
	v54 =	vld.idx.msk [tilespmem:v33+s21+$0xFFFFFF50 ss:$0x1], $0xffff;
	[tilespmem:v43+s24+$0x0] =	vst.idx.msk $0xffff, v41  }
0x2d: {  	v58 =	vadd.s32 v21, v37;
	[tilespmem:v63+s24+$0x0] =	vst.idx.msk $0xffff, v42;
	v63 =	vld.idx.msk [tilespmem:v33+s21+$0xFFFFFF90 ss:$0x1], $0xffff  }
0x2e: {  	v60 =	vadd.s32 v25, v38;
	[tilespmem:v47+s24+$0x0] =	vst.idx.msk $0xffff, v45;
	v41 =	vld.idx.msk [tilespmem:v33+s21+$0xFFFFFFE0 ss:$0x1], $0xffff  }
0x2f: {  	v59 =	vadd.s32 v30, v39;
	[tilespmem:v49+s24+$0x0] =	vst.idx.msk $0xffff, v48;
	v45 =	vld.idx.msk [tilespmem:v33+s21+$0xFFFFFE60 ss:$0x1], $0xffff  }
0x30: {  	v61 =	vadd.s32 v6, v44;
	[tilespmem:v51+s24+$0x0] =	vst.idx.msk $0xffff, v50;
	v49 =	vld.idx.msk [tilespmem:v33+s21+$0xFFFFFEA0 ss:$0x1], $0xffff  }
0x31: {  	v62 =	vadd.s32 v10, v53;
	[tilespmem:v57+s24+$0x0] =	vst.idx.msk $0xffff, v52;
	v51 =	vld.idx.msk [tilespmem:v33+s21+$0xFFFFFEE0 ss:$0x1], $0xffff  }
0x32: {  	v57 =	vadd.s32 v14, v35;
	[tilespmem:v58+s24+$0x0] =	vst.idx.msk $0xffff, v54;
	v52 =	vld.idx.msk [tilespmem:v33+s21+$0xFFFFFF20 ss:$0x1], $0xffff  }
0x33: {  	v58 =	vadd.s32 v18, v36;
	v54 =	vld.idx.msk [tilespmem:v33+s21+$0xFFFFFF60 ss:$0x1], $0xffff;
	[tilespmem:v60+s24+$0x0] =	vst.idx.msk $0xffff, v63  }
0x34: {  	v47 =	vld.idx.msk [tilespmem:v33+s21+$0xFFFFFE20 ss:$0x1], $0xffff;
	[tilespmem:v59+s24+$0x0] =	vst.idx.msk $0xffff, v41;
	v59 =	vadd.s32 v22, v37  }
0x35: {  	[tilespmem:v61+s24+$0x0] =	vst.idx.msk $0xffff, v45;
	v63 =	vld.idx.msk [tilespmem:v33+s21+$0xFFFFFFA0 ss:$0x1], $0xffff;
	v61 =	vadd.s32 v26, v38  }
0x36: {  	v60 =	vadd.s32 v31, v39;
	[tilespmem:v62+s24+$0x0] =	vst.idx.msk $0xffff, v49;
	v42 =	vld.idx.msk [tilespmem:v33+s21+$0xFFFFFFF0 ss:$0x1], $0xffff  }
0x37: {  	v49 =	vadd.s32 v2, v34;
	[tilespmem:v57+s24+$0x0] =	vst.idx.msk $0xffff, v51;
	v50 =	vld.idx.msk [tilespmem:v33+s21+$0xFFFFFE70 ss:$0x1], $0xffff  }
0x38: {  	v46 =	vadd.s32 v7, v44;
	[tilespmem:v58+s24+$0x0] =	vst.idx.msk $0xffff, v52;
	v51 =	vld.idx.msk [tilespmem:v33+s21+$0xFFFFFEB0 ss:$0x1], $0xffff  }
0x39: {  	s26 =	simm.s32 $0x8;
	v52 =	vadd.s32 v11, v53;
	v55 =	vld.idx.msk [tilespmem:v33+s21+$0xFFFFFEF0 ss:$0x1], $0xffff;
	[tilespmem:v59+s24+$0x0] =	vst.idx.msk $0xffff, v54  }
0x3a: {  	s29 =	simm.s32 $0xB;
	v56 =	vadd.s32 v15, v35;
	v62 =	vmov s26;
	v53 =	vadd.s32 v12, v53;
	v57 =	vld.idx.msk [tilespmem:v33+s21+$0xFFFFFF30 ss:$0x1], $0xffff;
	[tilespmem:v61+s24+$0x0] =	vst.idx.msk $0xffff, v63  }
0x3b: {  	s28 =	simm.s32 $0x9;
	v58 =	vmov s29;
	v40 =	vshrl.u32 v62, $0x3;
	v59 =	vadd.s32 v19, v36;
	[tilespmem:v60+s24+$0x0] =	vst.idx.msk $0xffff, v42;
	v45 =	vld.idx.msk [tilespmem:v33+s21+$0xFFFFFF70 ss:$0x1], $0xffff  }
0x3c: {  	v41 =	vshll.u32 v40, v1;
	v54 =	vmov s28;
	[tilespmem:v49+s24+$0x0] =	vst.idx.msk $0xffff, v47;
	v61 =	vadd.s32 v32, v39;
	v60 =	vld.idx.msk [tilespmem:v33+s21+$0x0 ss:$0x1], $0xffff  }
0x3d: {  	s25 =	sshrl.u32 s25, $0x1;
	v58 =	vshrl.u32 v58, $0x3;
	v49 =	vadd.s32 v23, v37;
	v63 =	vshrl.u32 v54, $0x3;
	[tilespmem:v46+s24+$0x0] =	vst.idx.msk $0xffff, v50;
	v46 =	vld.idx.msk [tilespmem:v33+s21+$0xFFFFFFB0 ss:$0x1], $0xffff  }
0x3e: {  	s25 =	smul.u32 $0xFFFE6800, s25;
	s28 =	simm.s32 $0xA;
	v48 =	vld.idx.msk [tilespmem:v33+s21+$0xFFFFFE30 ss:$0x1], $0xffff;
	[tilespmem:v52+s24+$0x0] =	vst.idx.msk $0xffff, v51;
	v52 =	vadd.s32 v27, v38;
	v50 =	vadd.s32 v3, v34  }
0x3f: {  	v42 =	vmov s28;
	s28 =	simm.s32 $0xC;
	[tilespmem:v56+s24+$0x0] =	vst.idx.msk $0xffff, v55;
	v51 =	vadd.s32 v8, v44;
	v44 =	vshll.u32 v58, v1;
	v47 =	vld.idx.msk [tilespmem:v33+s21+$0xFFFFFE80 ss:$0x1], $0xffff  }
0x40: {  	s30 =	simm.s32 $0xF;
	s25 =	sshra.s32 s25, $0x2;
	v40 =	vmov s28;
	v42 =	vshrl.u32 v42, $0x3;
	v43 =	vshll.u32 v63, v1;
	s28 =	simm.s32 $0xD;
	v39 =	vld.idx.msk [tilespmem:v33+s21+$0xFFFFFF00 ss:$0x1], $0xffff;
	[tilespmem:v59+s24+$0x0] =	vst.idx.msk $0xffff, v57  }
0x41: {  	s25 =	sadd.s32 s25, s22;
	s29 =	simm.s32 $0x10;
	v54 =	vshrl.u32 v40, $0x3;
	v42 =	vshll.u32 v42, v1;
	v40 =	vld.idx.msk [tilespmem:v33+s21+$0xFFFFFEC0 ss:$0x1], $0xffff;
	v55 =	vmov s28;
	s28 =	smov.u32 s21;
	[tilespmem:v61+s24+$0x0] =	vst.idx.msk $0xffff, v60  }
.LBB2_3:
0x42: {  	p0 =	slt.u32 s29, $0x78;
	v54 =	vshll.u32 v54, v1;
	v56 =	vmov s30;
	v35 =	vadd.s32 v16, v35;
	v57 =	vld.idx.msk [tilespmem:v33+s28+$0xFFFFFF40 ss:$0x1], $0xffff;
	[tilespmem:v49+s24+$0x0] =	vst.idx.msk $0xffff, v45  }
0x43: {  	v45 =	vshrl.u32 v55, $0x3;
	v36 =	vadd.s32 v20, v36;
	v49 =	vshrl.u32 v56, $0x3;
	v55 =	vld.idx.msk [tilespmem:v33+s28+$0xFFFFFF80 ss:$0x1], $0xffff;
	[tilespmem:v52+s24+$0x0] =	vst.idx.msk $0xffff, v46  }
0x44: {  	v37 =	vadd.s32 v24, v37;
	v46 =	vshll.u32 v49, v1;
	[tilespmem:v50+s24+$0x0] =	vst.idx.msk $0xffff, v48;
	v48 =	vld.idx.msk [tilespmem:v33+s28+$0xFFFFFFC0 ss:$0x1], $0xffff  }
0x45: {  	v41 =	vbroadcast v41, $0x0;
	v38 =	vadd.s32 v28, v38;
	v46 =	vbroadcast v46, $0x0;
	v49 =	vld.idx.msk [tilespmem:v33+s28+$0xFFFFFE40 ss:$0x1], $0xffff;
	[tilespmem:v51+s24+$0x0] =	vst.idx.msk $0xffff, v47;
	s28 =	sadd.s32 $0x200, s28  }
0x46: {  	v45 =	vshll.u32 v45, v1;
	v50 =	vadd.s32 v4, v34;
	v47 =	vld.idx.msk [tilespmem:v33+s28+$0xFFFFFFD0 ss:$0x1], $0xffff;
	[tilespmem:v53+s24+$0x0] =	vst.idx.msk $0xffff, v40  }
0x47: {  	v34 =	vmov v41;
	v40 =	vbroadcast v43, $0x0;
	v51 =	vld.idx.msk [tilespmem:v33+s28+$0xFFFFFE10 ss:$0x1], $0xffff;
	v43 =	vadd.s32 v29, v46;
	[tilespmem:v35+s24+$0x0] =	vst.idx.msk $0xffff, v39  }
0x48: {  	v41 =	vadd.s32 v0, v34;
	v39 =	vbroadcast v42, $0x0;
	v52 =	vld.idx.msk [tilespmem:v33+s28+$0xFFFFFE50 ss:$0x1], $0xffff;
	[tilespmem:v36+s24+$0x0] =	vst.idx.msk $0xffff, v57  }
0x49: {  	s30 =	sadd.s32 $0x6, s26;
	s26 =	smov.u32 s29;
	v35 =	vbroadcast v44, $0x0;
	v42 =	vadd.s32 v5, v40;
	v53 =	vld.idx.msk [tilespmem:v33+s28+$0xFFFFFE90 ss:$0x1], $0xffff;
	[tilespmem:v37+s24+$0x0] =	vst.idx.msk $0xffff, v55  }
0x4a: {  	v36 =	vbroadcast v54, $0x0;
	v54 =	vmov s30;
	v44 =	vadd.s32 v9, v39;
	v55 =	vld.idx.msk [tilespmem:v33+s28+$0xFFFFFED0 ss:$0x1], $0xffff;
	[tilespmem:v38+s24+$0x0] =	vst.idx.msk $0xffff, v48  }
0x4b: {  	v37 =	vbroadcast v45, $0x0;
	v48 =	vadd.s32 v13, v35;
	v38 =	vshrl.u32 v54, $0x3;
	v56 =	vld.idx.msk [tilespmem:v33+s28+$0xFFFFFF10 ss:$0x1], $0xffff;
	[tilespmem:v50+s24+$0x0] =	vst.idx.msk $0xffff, v49  }
0x4c: {  	v45 =	vadd.s32 v17, v36;
	v38 =	vshll.u32 v38, v1;
	v49 =	vld.idx.msk [tilespmem:v33+s28+$0xFFFFFF50 ss:$0x1], $0xffff;
	[tilespmem:v43+s24+$0x0] =	vst.idx.msk $0xffff, v47  }
0x4d: {  	v38 =	vbroadcast v38, $0x0;
	[tilespmem:v41+s24+$0x0] =	vst.idx.msk $0xffff, v51;
	v41 =	vadd.s32 v21, v37;
	v43 =	vld.idx.msk [tilespmem:v33+s28+$0xFFFFFFE0 ss:$0x1], $0xffff  }
0x4e: {  	v47 =	vadd.s32 v30, v46;
	[tilespmem:v42+s24+$0x0] =	vst.idx.msk $0xffff, v52;
	v42 =	vld.idx.msk [tilespmem:v33+s28+$0xFFFFFF90 ss:$0x1], $0xffff  }
0x4f: {  	v50 =	vld.idx.msk [tilespmem:v33+s28+$0xFFFFFE60 ss:$0x1], $0xffff;
	[tilespmem:v44+s24+$0x0] =	vst.idx.msk $0xffff, v53;
	v44 =	vadd.s32 v25, v38  }
0x50: {  	v51 =	vadd.s32 v6, v40;
	v52 =	vld.idx.msk [tilespmem:v33+s28+$0xFFFFFEA0 ss:$0x1], $0xffff;
	[tilespmem:v48+s24+$0x0] =	vst.idx.msk $0xffff, v55  }
0x51: {  	v48 =	vadd.s32 v10, v39;
	v53 =	vld.idx.msk [tilespmem:v33+s28+$0xFFFFFEE0 ss:$0x1], $0xffff;
	[tilespmem:v45+s24+$0x0] =	vst.idx.msk $0xffff, v56  }
0x52: {  	v45 =	vadd.s32 v14, v35;
	v54 =	vld.idx.msk [tilespmem:v33+s28+$0xFFFFFF20 ss:$0x1], $0xffff;
	[tilespmem:v41+s24+$0x0] =	vst.idx.msk $0xffff, v49  }
0x53: {  	v41 =	vadd.s32 v18, v36;
	v49 =	vld.idx.msk [tilespmem:v33+s28+$0xFFFFFF60 ss:$0x1], $0xffff;
	[tilespmem:v47+s24+$0x0] =	vst.idx.msk $0xffff, v43  }
0x54: {  	v43 =	vadd.s32 v22, v37;
	[tilespmem:v44+s24+$0x0] =	vst.idx.msk $0xffff, v42;
	v42 =	vld.idx.msk [tilespmem:v33+s28+$0xFFFFFFF0 ss:$0x1], $0xffff  }
0x55: {  	v47 =	vadd.s32 v31, v46;
	[tilespmem:v51+s24+$0x0] =	vst.idx.msk $0xffff, v50;
	v44 =	vld.idx.msk [tilespmem:v33+s28+$0xFFFFFFA0 ss:$0x1], $0xffff  }
0x56: {  	v50 =	vld.idx.msk [tilespmem:v33+s28+$0xFFFFFE20 ss:$0x1], $0xffff;
	[tilespmem:v48+s24+$0x0] =	vst.idx.msk $0xffff, v52;
	v48 =	vadd.s32 v26, v38  }
0x57: {  	v51 =	vadd.s32 v2, v34;
	v52 =	vld.idx.msk [tilespmem:v33+s28+$0xFFFFFE70 ss:$0x1], $0xffff;
	[tilespmem:v45+s24+$0x0] =	vst.idx.msk $0xffff, v53  }
0x58: {  	v53 =	vadd.s32 v7, v40;
	v55 =	vld.idx.msk [tilespmem:v33+s28+$0xFFFFFEB0 ss:$0x1], $0xffff;
	[tilespmem:v41+s24+$0x0] =	vst.idx.msk $0xffff, v54  }
0x59: {  	s30 =	sadd.s32 $0x1, s29;
	v56 =	vadd.s32 v11, v39;
	v41 =	vmov s29;
	v57 =	vld.idx.msk [tilespmem:v33+s28+$0xFFFFFEF0 ss:$0x1], $0xffff;
	[tilespmem:v43+s24+$0x0] =	vst.idx.msk $0xffff, v49  }
0x5a: {  	s31 =	sadd.s32 $0x3, s29;
	v58 =	vadd.s32 v15, v35;
	v41 =	vshrl.u32 v41, $0x3;
	v43 =	vmov s30;
	s30 =	sadd.s32 $0x2, s29;
	v59 =	vld.idx.msk [tilespmem:v33+s28+$0xFFFFFF30 ss:$0x1], $0xffff;
	[tilespmem:v47+s24+$0x0] =	vst.idx.msk $0xffff, v42  }
0x5b: {  	v60 =	vadd.s32 v19, v36;
	v42 =	vmov s30;
	v47 =	vmov s31;
	s30 =	sadd.s32 $0x4, s29;
	[tilespmem:v48+s24+$0x0] =	vst.idx.msk $0xffff, v44;
	v61 =	vld.idx.msk [tilespmem:v33+s28+$0x0 ss:$0x1], $0xffff  }
0x5c: {  	v62 =	vadd.s32 v32, v46;
	v41 =	vshll.u32 v41, v1;
	v44 =	vmov s30;
	[tilespmem:v51+s24+$0x0] =	vst.idx.msk $0xffff, v50;
	v45 =	vld.idx.msk [tilespmem:v33+s28+$0xFFFFFF70 ss:$0x1], $0xffff  }
.Ltmp0:
0x5d: {  	v49 =	vadd.s32 v23, v37;
	v43 =	vshrl.u32 v43, $0x3;
	v42 =	vshrl.u32 v42, $0x3;
	[tilespmem:v53+s24+$0x0] =	vst.idx.msk $0xffff, v52;
	v46 =	vld.idx.msk [tilespmem:v33+s28+$0xFFFFFFB0 ss:$0x1], $0xffff;
	(pc) =	sbr.rel @p0 .LBB2_3-.Ltmp0, $4  }
0x5e: {  	v54 =	vshrl.u32 v44, $0x3;
	v53 =	vshrl.u32 v47, $0x3;
	v52 =	vadd.s32 v27, v38;
	v48 =	vld.idx.msk [tilespmem:v33+s28+$0xFFFFFE30 ss:$0x1], $0xffff;
	[tilespmem:v56+s24+$0x0] =	vst.idx.msk $0xffff, v55  }
0x5f: {  	v43 =	vshll.u32 v43, v1;
	v50 =	vadd.s32 v3, v34;
	v47 =	vld.idx.msk [tilespmem:v33+s28+$0xFFFFFE80 ss:$0x1], $0xffff;
	[tilespmem:v58+s24+$0x0] =	vst.idx.msk $0xffff, v57  }
0x60: {  	s30 =	sadd.s32 $0x5, s29;
	v42 =	vshll.u32 v42, v1;
	v51 =	vadd.s32 v8, v40;
	v40 =	vld.idx.msk [tilespmem:v33+s28+$0xFFFFFEC0 ss:$0x1], $0xffff;
	[tilespmem:v60+s24+$0x0] =	vst.idx.msk $0xffff, v59  }
0x61: {  	s29 =	sadd.s32 $0x8, s29;
	v44 =	vshll.u32 v53, v1;
	v55 =	vmov s30;
	s30 =	sadd.s32 $0x7, s26;
	v53 =	vadd.s32 v12, v39;
	v39 =	vld.idx.msk [tilespmem:v33+s28+$0xFFFFFF00 ss:$0x1], $0xffff;
	[tilespmem:v62+s24+$0x0] =	vst.idx.msk $0xffff, v61  }
0x62: {  	_ =	sdelay $0x3  }
0x63: {  	v54 =	vshll.u32 v54, v1;
	v56 =	vmov s30;
	v35 =	vadd.s32 v16, v35;
	[tilespmem:v49+s24+$0x0] =	vst.idx.msk $0xffff, v45  }
0x64: {  	v45 =	vld.idx.msk [tilespmem:v33+s28+$0xFFFFFF40 ss:$0x1], $0xffff;
	v36 =	vadd.s32 v20, v36;
	[tilespmem:v52+s24+$0x0] =	vst.idx.msk $0xffff, v46;
	v57 =	vshrl.u32 v56, $0x3  }
0x65: {  	v37 =	vadd.s32 v24, v37;
	v58 =	vld.idx.msk [tilespmem:v33+s28+$0xFFFFFF80 ss:$0x1], $0xffff;
	[tilespmem:v50+s24+$0x0] =	vst.idx.msk $0xffff, v48;
	v59 =	vshll.u32 v57, v1  }
0x66: {  	v38 =	vadd.s32 v28, v38;
	v60 =	vld.idx.msk [tilespmem:v33+s28+$0xFFFFFFC0 ss:$0x1], $0xffff;
	[tilespmem:v51+s24+$0x0] =	vst.idx.msk $0xffff, v47;
	v50 =	vbroadcast v59, $0x0  }
0x67: {  	v63 =	vshrl.u32 v55, $0x3;
	v41 =	vbroadcast v41, $0x0;
	v34 =	vadd.s32 v4, v34;
	v61 =	vld.idx.msk [tilespmem:v33+s28+$0xFFFFFE40 ss:$0x1], $0xffff;
	s28 =	sadd.s32 $0x200, s28;
	[tilespmem:v53+s24+$0x0] =	vst.idx.msk $0xffff, v40  }
0x68: {  	v43 =	vbroadcast v43, $0x0;
	v42 =	vbroadcast v42, $0x0;
	v40 =	vld.idx.msk [tilespmem:v33+s28+$0xFFFFFFD0 ss:$0x1], $0xffff;
	v62 =	vadd.s32 v29, v50;
	[tilespmem:v35+s24+$0x0] =	vst.idx.msk $0xffff, v39  }
0x69: {  	v49 =	vshll.u32 v63, v1;
	v63 =	vadd.s32 v0, v41;
	v35 =	vld.idx.msk [tilespmem:v33+s28+$0xFFFFFE10 ss:$0x1], $0xffff;
	[tilespmem:v36+s24+$0x0] =	vst.idx.msk $0xffff, v45  }
0x6a: {  	v44 =	vbroadcast v44, $0x0;
	s26 =	sadd.s32 $0x6, s26;
	v36 =	vld.idx.msk [tilespmem:v33+s28+$0xFFFFFE50 ss:$0x1], $0xffff;
	v45 =	vadd.s32 v5, v43;
	[tilespmem:v37+s24+$0x0] =	vst.idx.msk $0xffff, v58  }
0x6b: {  	v52 =	vbroadcast v54, $0x0;
	v56 =	vadd.s32 v9, v42;
	v57 =	vmov s26;
	v37 =	vld.idx.msk [tilespmem:v33+s28+$0xFFFFFE90 ss:$0x1], $0xffff;
	[tilespmem:v38+s24+$0x0] =	vst.idx.msk $0xffff, v60  }
0x6c: {  	v49 =	vbroadcast v49, $0x0;
	v59 =	vadd.s32 v13, v44;
	v53 =	vshrl.u32 v57, $0x3;
	v58 =	vld.idx.msk [tilespmem:v33+s28+$0xFFFFFED0 ss:$0x1], $0xffff;
	[tilespmem:v34+s24+$0x0] =	vst.idx.msk $0xffff, v61  }
0x6d: {  	v53 =	vshll.u32 v53, v1;
	v60 =	vld.idx.msk [tilespmem:v33+s28+$0xFFFFFF10 ss:$0x1], $0xffff;
	v61 =	vadd.s32 v17, v52;
	[tilespmem:v62+s24+$0x0] =	vst.idx.msk $0xffff, v40  }
0x6e: {  	v39 =	vbroadcast v53, $0x0;
	v62 =	vld.idx.msk [tilespmem:v33+s28+$0xFFFFFF50 ss:$0x1], $0xffff;
	[tilespmem:v63+s24+$0x0] =	vst.idx.msk $0xffff, v35;
	v63 =	vadd.s32 v21, v49  }
0x6f: {  	[tilespmem:v45+s24+$0x0] =	vst.idx.msk $0xffff, v36;
	v36 =	vadd.s32 v30, v50;
	v51 =	vld.idx.msk [tilespmem:v33+s28+$0xFFFFFFE0 ss:$0x1], $0xffff  }
0x70: {  	v45 =	vld.idx.msk [tilespmem:v33+s28+$0xFFFFFF90 ss:$0x1], $0xffff;
	[tilespmem:v56+s24+$0x0] =	vst.idx.msk $0xffff, v37;
	v37 =	vadd.s32 v25, v39  }
0x71: {  	v57 =	vadd.s32 v6, v43;
	v56 =	vld.idx.msk [tilespmem:v33+s28+$0xFFFFFE60 ss:$0x1], $0xffff;
	[tilespmem:v59+s24+$0x0] =	vst.idx.msk $0xffff, v58  }
0x72: {  	v59 =	vadd.s32 v10, v42;
	v58 =	vld.idx.msk [tilespmem:v33+s28+$0xFFFFFEA0 ss:$0x1], $0xffff;
	[tilespmem:v61+s24+$0x0] =	vst.idx.msk $0xffff, v60  }
0x73: {  	v60 =	vld.idx.msk [tilespmem:v33+s28+$0xFFFFFEE0 ss:$0x1], $0xffff;
	v61 =	vadd.s32 v14, v44;
	[tilespmem:v63+s24+$0x0] =	vst.idx.msk $0xffff, v62  }
0x74: {  	v62 =	vld.idx.msk [tilespmem:v33+s28+$0xFFFFFF20 ss:$0x1], $0xffff;
	v63 =	vadd.s32 v18, v52;
	[tilespmem:v36+s24+$0x0] =	vst.idx.msk $0xffff, v51  }
0x75: {  	v36 =	vld.idx.msk [tilespmem:v33+s28+$0xFFFFFF60 ss:$0x1], $0xffff;
	v51 =	vadd.s32 v22, v49;
	[tilespmem:v37+s24+$0x0] =	vst.idx.msk $0xffff, v45  }
0x76: {  	[tilespmem:v57+s24+$0x0] =	vst.idx.msk $0xffff, v56;
	v45 =	vadd.s32 v31, v50;
	v37 =	vld.idx.msk [tilespmem:v33+s28+$0xFFFFFFF0 ss:$0x1], $0xffff  }
0x77: {  	v57 =	vadd.s32 v26, v39;
	v56 =	vld.idx.msk [tilespmem:v33+s28+$0xFFFFFFA0 ss:$0x1], $0xffff;
	[tilespmem:v59+s24+$0x0] =	vst.idx.msk $0xffff, v58  }
0x78: {  	v58 =	vld.idx.msk [tilespmem:v33+s28+$0xFFFFFE20 ss:$0x1], $0xffff;
	v59 =	vadd.s32 v2, v41;
	[tilespmem:v61+s24+$0x0] =	vst.idx.msk $0xffff, v60  }
0x79: {  	v60 =	vld.idx.msk [tilespmem:v33+s28+$0xFFFFFE70 ss:$0x1], $0xffff;
	v61 =	vadd.s32 v7, v43;
	[tilespmem:v63+s24+$0x0] =	vst.idx.msk $0xffff, v62  }
0x7a: {  	v62 =	vld.idx.msk [tilespmem:v33+s28+$0xFFFFFEB0 ss:$0x1], $0xffff;
	v63 =	vadd.s32 v11, v42;
	[tilespmem:v51+s24+$0x0] =	vst.idx.msk $0xffff, v36  }
0x7b: {  	v36 =	vld.idx.msk [tilespmem:v33+s28+$0xFFFFFEF0 ss:$0x1], $0xffff;
	v51 =	vadd.s32 v15, v44;
	[tilespmem:v45+s24+$0x0] =	vst.idx.msk $0xffff, v37  }
0x7c: {  	v55 =	vadd.s32 v19, v52;
	v54 =	vld.idx.msk [tilespmem:v33+s28+$0xFFFFFF30 ss:$0x1], $0xffff;
	[tilespmem:v57+s24+$0x0] =	vst.idx.msk $0xffff, v56  }
0x7d: {  	[tilespmem:v59+s24+$0x0] =	vst.idx.msk $0xffff, v58;
	v58 =	vld.idx.msk [tilespmem:v33+s28+$0xFFFFFF70 ss:$0x1], $0xffff;
	v59 =	vadd.s32 v23, v49  }
0x7e: {  	v57 =	vadd.s32 v32, v50;
	[tilespmem:v61+s24+$0x0] =	vst.idx.msk $0xffff, v60;
	v56 =	vld.idx.msk [tilespmem:v33+s28+$0x0 ss:$0x1], $0xffff  }
0x7f: {  	v61 =	vadd.s32 v27, v39;
	v60 =	vld.idx.msk [tilespmem:v33+s28+$0xFFFFFFB0 ss:$0x1], $0xffff;
	[tilespmem:v63+s24+$0x0] =	vst.idx.msk $0xffff, v62  }
0x80: {  	v43 =	vadd.s32 v8, v43;
	v53 =	vld.idx.msk [tilespmem:v33+s28+$0xFFFFFE80 ss:$0x1], $0xffff;
	[tilespmem:v51+s24+$0x0] =	vst.idx.msk $0xffff, v36  }
0x81: {  	v62 =	vld.idx.msk [tilespmem:v33+s28+$0xFFFFFE30 ss:$0x1], $0xffff;
	v63 =	vadd.s32 v3, v41;
	[tilespmem:v55+s24+$0x0] =	vst.idx.msk $0xffff, v54  }
0x82: {  	v42 =	vadd.s32 v12, v42;
	v54 =	vld.idx.msk [tilespmem:v33+s28+$0xFFFFFEC0 ss:$0x1], $0xffff;
	[tilespmem:v59+s24+$0x0] =	vst.idx.msk $0xffff, v58  }
0x83: {  	v44 =	vadd.s32 v16, v44;
	v55 =	vld.idx.msk [tilespmem:v33+s28+$0xFFFFFF00 ss:$0x1], $0xffff;
	[tilespmem:v57+s24+$0x0] =	vst.idx.msk $0xffff, v56  }
0x84: {  	v56 =	vld.idx.msk [tilespmem:v33+s28+$0xFFFFFF40 ss:$0x1], $0xffff;
	v57 =	vadd.s32 v20, v52;
	[tilespmem:v61+s24+$0x0] =	vst.idx.msk $0xffff, v60  }
0x85: {  	v59 =	vadd.s32 v24, v49;
	v58 =	vld.idx.msk [tilespmem:v33+s28+$0xFFFFFF80 ss:$0x1], $0xffff;
	[tilespmem:v43+s24+$0x0] =	vst.idx.msk $0xffff, v53  }
0x86: {  	v61 =	vadd.s32 v28, v39;
	v60 =	vld.idx.msk [tilespmem:v33+s28+$0xFFFFFFC0 ss:$0x1], $0xffff;
	[tilespmem:v63+s24+$0x0] =	vst.idx.msk $0xffff, v62  }
0x87: {  	v63 =	vadd.s32 v4, v41;
	v62 =	vld.idx.msk [tilespmem:v33+s28+$0xFFFFFE40 ss:$0x1], $0xffff;
	[tilespmem:v42+s24+$0x0] =	vst.idx.msk $0xffff, v54  }
0x88: {  	[tilespmem:v44+s24+$0x0] =	vst.idx.msk $0xffff, v55  }
0x89: {  	s31 =	sshll.u32 s23, $0x7;
	[tilespmem:v57+s24+$0x0] =	vst.idx.msk $0xffff, v56  }
0x8a: {  	s26 =	sand.u32 $0x180, s31;
	s28 =	sshll.u32 s23, $0xF;
	[tilespmem:v59+s24+$0x0] =	vst.idx.msk $0xffff, v58  }
0x8b: {  	s26 =	sadd.s32 s26, s5;
	s28 =	sand.u32 $0x7E0000, s28;
	[tilespmem:v61+s24+$0x0] =	vst.idx.msk $0xffff, v60  }
0x8c: {  	s29 =	sadd.s32 $0x0, s25;
	[tilespmem:v63+s24+$0x0] =	vst.idx.msk $0xffff, v62;
	s24 =	sadd.s32 s28, s26  }
0x8d: {  	[hbm4b:s24+s2] =	stream.linear.scatter [tilespmem:s29], [sflag:$0x2], $0x80, $0x38;
	[tilespmem:$0x18A00] =	vst v63  }
0x8e: {  	s31 =	sadd.s32 $0x88, s29;
	s28 =	sadd.s32 $0x10, s24  }
0x8f: {  	[hbm4b:s28+s2] =	stream.linear.scatter [tilespmem:s31], [sflag:$0x2], $0x80, $0x38;
	[tilespmem:$0x18A00] =	vst v63  }
0x90: {  	s31 =	sadd.s32 $0x110, s29;
	s28 =	sadd.s32 $0x20, s24  }
0x91: {  	[hbm4b:s28+s2] =	stream.linear.scatter [tilespmem:s31], [sflag:$0x2], $0x80, $0x38;
	[tilespmem:$0x18A00] =	vst v63  }
0x92: {  	s31 =	sadd.s32 $0x198, s29;
	s28 =	sadd.s32 $0x30, s24  }
0x93: {  	[hbm4b:s28+s2] =	stream.linear.scatter [tilespmem:s31], [sflag:$0x2], $0x80, $0x38;
	[tilespmem:$0x18A00] =	vst v63  }
0x94: {  	s31 =	sadd.s32 $0x220, s29;
	s28 =	sadd.s32 $0x40, s24  }
0x95: {  	[hbm4b:s28+s2] =	stream.linear.scatter [tilespmem:s31], [sflag:$0x2], $0x80, $0x38;
	[tilespmem:$0x18A00] =	vst v63  }
0x96: {  	s26 =	simm.s32 $0x440;
	s31 =	sadd.s32 $0x2A8, s29;
	s28 =	sadd.s32 $0x50, s24  }
0x97: {  	[hbm4b:s28+s2] =	stream.linear.scatter [tilespmem:s31], [sflag:$0x2], $0x80, $0x38;
	[tilespmem:$0x18A00] =	vst v63  }
0x98: {  	s30 =	sadd.s32 $0x70, s24;
	s31 =	sadd.s32 $0x330, s29;
	s28 =	sadd.s32 $0x60, s24  }
0x99: {  	[hbm4b:s28+s2] =	stream.linear.scatter [tilespmem:s31], [sflag:$0x2], $0x80, $0x38;
	[tilespmem:$0x18A00] =	vst v63  }
0x9a: {  	s29 =	sadd.s32 $0x3B8, s29;
	s24 =	sadd.s32 $0x4000, s24;
	s28 =	simm.s32 $0x2200  }
.LBB2_5:
0x9b: {  	[hbm4b:s30+s2] =	stream.linear.scatter [tilespmem:s29], [sflag:$0x2], $0x80, $0x38;
	[tilespmem:$0x18A00] =	vst v63  }
0x9c: {  	s29 =	smov.u32 s28  }
0x9d: {  	s31 =	sadd.s32 $0x1100, s28;
	s30 =	sadd.s32 s26, s25;
	s26 =	sshra.s32 s29, $0x2  }
0x9e: {  	[hbm4b:s24+s2] =	stream.linear.scatter [tilespmem:s30], [sflag:$0x2], $0x80, $0x38;
	[tilespmem:$0x18A00] =	vst v63  }
0x9f: {  	p0 =	sne.s32 s28, $0x7700;
	s28 =	sadd.s32 $0x88, s30;
	s29 =	sadd.s32 $0x10, s24  }
0xa0: {  	[hbm4b:s29+s2] =	stream.linear.scatter [tilespmem:s28], [sflag:$0x2], $0x80, $0x38;
	[tilespmem:$0x18A00] =	vst v63  }
0xa1: {  	s28 =	sadd.s32 $0x110, s30;
	s29 =	sadd.s32 $0x20, s24  }
0xa2: {  	[hbm4b:s29+s2] =	stream.linear.scatter [tilespmem:s28], [sflag:$0x2], $0x80, $0x38;
	[tilespmem:$0x18A00] =	vst v63  }
0xa3: {  	s28 =	sadd.s32 $0x198, s30;
	s29 =	sadd.s32 $0x30, s24  }
0xa4: {  	[hbm4b:s29+s2] =	stream.linear.scatter [tilespmem:s28], [sflag:$0x2], $0x80, $0x38;
	[tilespmem:$0x18A00] =	vst v63  }
0xa5: {  	s28 =	sadd.s32 $0x220, s30;
	s29 =	sadd.s32 $0x40, s24  }
0xa6: {  	[hbm4b:s29+s2] =	stream.linear.scatter [tilespmem:s28], [sflag:$0x2], $0x80, $0x38;
	[tilespmem:$0x18A00] =	vst v63  }
0xa7: {  	s28 =	sadd.s32 $0x2A8, s30;
	s29 =	sadd.s32 $0x50, s24  }
0xa8: {  	[hbm4b:s29+s2] =	stream.linear.scatter [tilespmem:s28], [sflag:$0x2], $0x80, $0x38;
	[tilespmem:$0x18A00] =	vst v63  }
.Ltmp1:
0xa9: {  	_ = 	snop;
	(pc) =	sbr.rel @p0 .LBB2_5-.Ltmp1, $4  }
0xaa: {  	s28 =	sadd.s32 $0x330, s30;
	s29 =	sadd.s32 $0x60, s24  }
0xab: {  	[hbm4b:s29+s2] =	stream.linear.scatter [tilespmem:s28], [sflag:$0x2], $0x80, $0x38;
	[tilespmem:$0x18A00] =	vst v63  }
0xac: {  	s29 =	sadd.s32 $0x3B8, s30  }
0xad: {  	s30 =	sadd.s32 $0x70, s24;
	s24 =	sadd.s32 $0x4000, s24;
	s28 =	smov.u32 s31  }
0xae: {  	[hbm4b:s30+s2] =	stream.linear.scatter [tilespmem:s29], [sflag:$0x2], $0x80, $0x38;
	[tilespmem:$0x18A00] =	vst v63  }
0xaf: {  	s25 =	sadd.s32 s26, s25  }
0xb0: {  	[hbm4b:s24+s2] =	stream.linear.scatter [tilespmem:s25], [sflag:$0x2], $0x80, $0x38;
	[tilespmem:$0x18A00] =	vst v63  }
0xb1: {  	s28 =	sadd.s32 $0x10, s24;
	s26 =	sadd.s32 $0x88, s25  }
0xb2: {  	[hbm4b:s28+s2] =	stream.linear.scatter [tilespmem:s26], [sflag:$0x2], $0x80, $0x38;
	[tilespmem:$0x18A00] =	vst v63  }
0xb3: {  	s30 =	sadd.s32 $0x20, s24;
	s29 =	sadd.s32 $0x110, s25  }
0xb4: {  	[hbm4b:s30+s2] =	stream.linear.scatter [tilespmem:s29], [sflag:$0x2], $0x80, $0x38;
	[tilespmem:$0x18A00] =	vst v63  }
0xb5: {  	s31 =	sadd.s32 $0x198, s25;
	s29 =	sadd.s32 $0x30, s24  }
0xb6: {  	[hbm4b:s29+s2] =	stream.linear.scatter [tilespmem:s31], [sflag:$0x2], $0x80, $0x38;
	[tilespmem:$0x18A00] =	vst v63  }
0xb7: {  	p0 =	sgt.u32 s23, $0xC2;
	s30 =	sadd.s32 $0x220, s25;
	s31 =	sadd.s32 $0x40, s24  }
0xb8: {  	[hbm4b:s31+s2] =	stream.linear.scatter [tilespmem:s30], [sflag:$0x2], $0x80, $0x38;
	[tilespmem:$0x18A00] =	vst v63  }
0xb9: {  	s26 =	sadd.s32 @!p0 $0x5, s23;
	s29 =	sadd.s32 $0x2A8, s25;
	s30 =	sadd.s32 $0x50, s24  }
0xba: {  	[hbm4b:s30+s2] =	stream.linear.scatter [tilespmem:s29], [sflag:$0x2], $0x80, $0x38;
	[tilespmem:$0x18A00] =	vst v63  }
0xbb: {  	s28 =	sadd.s32 $0x330, s25;
	s31 =	sadd.s32 $0x60, s24;
	s30 =	smul.u32 @!p0 $0xAB, s26  }
0xbc: {  	[hbm4b:s31+s2] =	stream.linear.scatter [tilespmem:s28], [sflag:$0x2], $0x80, $0x38;
	[tilespmem:$0x18A00] =	vst v63  }
0xbd: {  	s28 =	sshrl.u32 @!p0 s30, $0xA  }
0xbe: {  	s28 =	sand.u32 @!p0 $0x3F, s28  }
0xbf: {  	s25 =	sadd.s32 $0x3B8, s25;
	s31 =	sadd.s32 $0x70, s24;
	s28 =	smul.u32 @!p0 $0x6, s28  }
0xc0: {  	[hbm4b:s31+s2] =	stream.linear.scatter [tilespmem:s25], [sflag:$0x2], $0x80, $0x38;
	[tilespmem:$0x18A00] =	vst v63  }
0xc1: {  	s24 =	ssub.s32 @!p0 s26, s28  }
0xc2: {  	s24 =	sand.u32 @!p0 $0xFF, s24  }
0xc3: {  	s23 =	sadd.s32 $0x1, s23;
	s25 =	sshll.u32 @!p0 s26, $0x7;
	s24 =	sshll.u32 @!p0 s24, $0xD  }
0xc4: {  	s25 =	sand.u32 @!p0 $0xFF80, s25;
	s26 =	simm.s32 @!p0 $0x80;
	s24 =	sadd.s32 @!p0 $0x6400, s24  }
0xc5: {  	[tilespmem:s24], [sflag:$0x1] =	stream.indirect.gather @!p0 [hbm4b:s3+s26], $0x40, s25, s26, $0xb8;
	[tilespmem:$0x18A00] =	vst v63  }
0xc6: {  	p0 =	sne.s32 s23, $0xC8  }
.Ltmp2:
0xc7: {  	_ = 	snop;
	(pc) =	sbr.rel @p0 .LBB2_2-.Ltmp2, $2  }
0xc8: {  	_ =	sdelay $0x2  }
0xc9: {  	s21 =	sadd.s32 $0x2000, s21;
	s22 =	sadd.s32 $0x2200, s22  }
0xca: {  	_ =	swait.ge [sflag:s19], $0x2000  }
0xcb: {  	[sflag:s19] =	ssyncset.done $0x0  }
0xcc: {  	s20 =	sadd.s32 $0x1, s20;
	[sflag:s19] =	ssyncadd.s32 $0xFFFFE000  }
0xcd: {  	p0 =	sne.s32 s20, s6;
	_ =	swait.ge [sflag:s19], $0x2000  }
.Ltmp3:
0xce: {  	[sflag:s19] =	ssyncset.done $0x0;
	(pc) =	sbr.rel @p0 .LBB2_1-.Ltmp3, $4  }
0xcf: {  	[sflag:s19] =	ssyncadd.s32 $0xFFFFE000  }
0xd0: {  	_ =	swait.ge [sflag:s19], $0x2000  }
0xd1: {  	[sflag:s19] =	ssyncset.done $0x0  }
0xd2: {  	[sflag:s19] =	ssyncadd.s32 $0xFFFFE000  }
0xd3: {  	_ =	sfence.sel $0x180000  }
0xd4: {  	[bflag:$0x0] =	sbarrier.arrive $0xFFFF  }
0xd5: {  	p0 =	sne.s32 s1, $0x0;
	_ =	strace $0x90000047  }
0xd6: {  	s0 =	sadd.s32 @!p0 $0x100000, s0;
	[bflag:$0x2] =	sbarrier.arrive $0xFFFF  }
0xd7: {  	[sflag:s0] =	ssyncadd.tile.s32 @!p0 $0x1;
	_ =	shalt  }
.Lfunc_end2:
_tile_overlayer_lowered:
.L_overlay_start_2:
0xd8: {  	(tag) =	ssettag $0x2  }
0xd9: {  	s0 =	rddreg [dreg:$0x0];
	s2 =	stileid.u32  }
0xda: {  	s1 =	rddreg [dreg:$0x1];
	p0 =	sne.s32 s2, $0x0  }
0xdb: {  	s3 =	rddreg [dreg:$0x2];
	[bflag:$0x3] =	sbarrier.arrive $0xFFFF;
	s2 =	simm.s32 @!p0 $0x1C03  }
0xdc: {  	[timem:s3], [sflag:s2] =	dma.local @!p0 [hbm:s0], s1  }
0xdd: {  	s0 =	simm.s32 @!p0 $0x3  }
0xde: {  	_ =	swait.ge @!p0 [sflag:s0], s1  }
0xdf: {  	s1 =	ssub.s32 @!p0 $0x0, s1;
	[sflag:s0] =	ssyncset.done @!p0 $0x0  }
0xe0: {  	[sflag:s0] =	ssyncadd.s32 @!p0 s1  }
0xe1: {  	[bflag:$0x3] =	sbarrier.arrive $0xFFFF  }
0xe2: {  	_ =	shalt  }

</sc_bundles>
